<compile_context>
chip_gen: v7x
topology: tpu7x:2x2x1
jax: 0.10.2.dev20260603
libtpu: 0.0.44.dev20260713+nightly
codegen_flags: <defaults>
</compile_context>

<pallas_src>
import jax
import jax.numpy as jnp
from jax import lax
from jax.experimental import pallas as pl
from jax.experimental.pallas import tpu as pltpu
from jax.experimental.pallas import tpu_sc as plsc

_N_EMB = 8192
_EMB_DIM = 32
_M = 32 * 32 * 32
_BM = 256
_NB = _M // _BM

_W = 4096


def _argmin_body(zf_ref, emb_ref, e2_ref, z2_ref, idx_ref, dsum_ref):
    i = pl.program_id(0)
    zf = zf_ref[...]
    mm = lax.dot_general(zf, emb_ref[...], (((1,), (1,)), ((), ())),
                         preferred_element_type=jnp.float32)
    z2 = z2_ref[...]
    d = (z2 + e2_ref[...]) - 2.0 * mm

    _OFF = 0x30000000
    acc_v = None
    for w in range(_N_EMB // _W):
        dw = d[:, w * _W:(w + 1) * _W]
        wv = jnp.min(dw, axis=1, keepdims=True)
        lane = lax.broadcasted_iota(jnp.int32, dw.shape, 1) + (w * _W + _OFF)
        key = lax.bitcast_convert_type(
            jnp.where(dw == wv, lane, _N_EMB + _OFF), jnp.float32)
        wi_f = jnp.min(key, axis=1, keepdims=True)
        wi = lax.bitcast_convert_type(wi_f, jnp.int32) - _OFF
        if acc_v is None:
            acc_v, acc_i, acc_vx = wv, wi, wv
        else:
            upd = wv < acc_v
            acc_i = jnp.where(upd, wi, acc_i)
            acc_vx = jnp.where(upd, wv, acc_vx)
            acc_v = jnp.where(upd, wv, acc_v)
        acc_v = acc_v.astype(jnp.bfloat16).astype(jnp.float32)
    idx_ref[0, 0, :] = acc_i[:, 0]

    @pl.when(i == 0)
    def _():
        dsum_ref[0, 0] = 0.0

    dsum_ref[0, 0] += jnp.sum(acc_vx)


def _argmin_call(zf, emb, e2, z2):
    return pl.pallas_call(
        _argmin_body,
        grid=(_NB,),
        in_specs=[
            pl.BlockSpec((_BM, _EMB_DIM), lambda i: (i, 0)),
            pl.BlockSpec((_N_EMB, _EMB_DIM), lambda i: (0, 0)),
            pl.BlockSpec((1, _N_EMB), lambda i: (0, 0)),
            pl.BlockSpec((_BM, 1), lambda i: (i, 0)),
        ],
        out_specs=[
            pl.BlockSpec((1, 1, _BM), lambda i: (i, 0, 0)),
            pl.BlockSpec((1, 1), lambda i: (0, 0), memory_space=pltpu.SMEM),
        ],
        out_shape=[
            jax.ShapeDtypeStruct((_NB, 1, _BM), jnp.int32),
            jax.ShapeDtypeStruct((1, 1), jnp.float32),
        ],
    )(zf, emb, e2, z2)


_B = 32
_HW = 32 * 32


def _stgather_body(embT_hbm, idx_hbm, z_hbm, out_hbm, row_v, idx_v, zc_v,
                   out_v):
    c = lax.axis_index("s") * 2 + lax.axis_index("c")
    pltpu.sync_copy(embT_hbm.at[c], row_v)
    pltpu.sync_copy(idx_hbm, idx_v)
    pltpu.sync_copy(z_hbm.at[:, c], zc_v)

    for b in range(_B):
        def body(t, carry):
            sl = pl.ds(t * 16, 16)
            iv = idx_v[b, sl]
            g = plsc.load_gather(row_v, [iv])
            zv = zc_v[b, sl]
            out_v[b, sl] = zv + (g - zv)
            return carry
        lax.fori_loop(0, _HW // 16, body, 0)

    pltpu.sync_copy(out_v, out_hbm.at[:, c])


def _stgather_call(embT, idx2, z3):
    mesh = plsc.VectorSubcoreMesh(core_axis_name="c", subcore_axis_name="s")
    k = pl.kernel(
        _stgather_body,
        mesh=mesh,
        compiler_params=pltpu.CompilerParams(use_tc_tiling_on_sc=False,
                                             needs_layout_passes=False),
        out_type=jax.ShapeDtypeStruct((_B, _EMB_DIM, _HW), jnp.float32),
        scratch_types=[
            pltpu.VMEM((_N_EMB,), jnp.float32),
            pltpu.VMEM((_B, _HW), jnp.int32),
            pltpu.VMEM((_B, _HW), jnp.float32),
            pltpu.VMEM((_B, _HW), jnp.float32),
        ],
    )
    return k(embT, idx2, z3)


def kernel(z, emb):
    zp = jnp.transpose(z, (0, 2, 3, 1))
    zf = zp.reshape(-1, _EMB_DIM)
    e2 = jnp.sum(emb ** 2, axis=1).reshape(1, _N_EMB)
    z2 = jnp.sum(z ** 2, axis=1).reshape(_M, 1)
    idx3, dsum = _argmin_call(zf, emb, e2, z2)
    idx = idx3.reshape(_M)
    embT = emb.T
    zq3 = _stgather_call(embT, idx.reshape(_B, _HW),
                         z.reshape(_B, _EMB_DIM, _HW))
    embedding_loss = dsum[0, 0] * (1.0 / float(_M * _EMB_DIM))
    z_q_out = zq3.reshape(z.shape)
    return (embedding_loss, z_q_out, idx)

# --- scband reference (transcript-rebuilt; emitter-appended) ---
"""Pipeline reference for scband-vector-quantizer-43791486550285 (READ-ONLY COPY).

The authoritative reference and input builder live on the scoring server;
editing this copy changes nothing except your own understanding.
"""

import jax, jax.numpy as jnp
import numpy as np

N_EMB = 8192
EMB_DIM = 32
BETA = 0.25


def setup_inputs(seed: int = 0) -> dict:
    key = jax.random.key(seed)
    k1, k2 = jax.random.split(key)
    z = jax.random.normal(k1, (32, 32, 32, 32), dtype=jnp.float32)
    emb = jax.random.uniform(k2, (N_EMB, EMB_DIM), dtype=jnp.float32,
                             minval=-1.0 / N_EMB, maxval=1.0 / N_EMB)
    return {"z": z, "emb": emb}


def reference(z, emb):
    # z: [B, C, H, W] with C == EMB_DIM
    zp = jnp.transpose(z, (0, 2, 3, 1))              # [B, H, W, C]
    zf = zp.reshape(-1, EMB_DIM)                      # [B*H*W, C]
    # squared L2 distance to every codebook entry
    dist = (jnp.sum(zf ** 2, axis=1, keepdims=True)
            + jnp.sum(emb ** 2, axis=1)
            - 2.0 * jnp.matmul(zf, emb.T))            # [B*H*W, K]
    idx = jnp.argmin(dist, axis=1)                    # [B*H*W]
    # one-hot @ codebook == gather of nearest codes
    z_q = jnp.take(emb, idx, axis=0).reshape(zp.shape)
    embedding_loss = jnp.mean((jax.lax.stop_gradient(z_q) - zp) ** 2)
    quantized_loss = jnp.mean((z_q - jax.lax.stop_gradient(zp)) ** 2)
    total_loss = quantized_loss + BETA * embedding_loss  # computed as in torch (not returned)
    z_q_st = zp + jax.lax.stop_gradient(z_q - zp)     # straight-through
    z_q_out = jnp.transpose(z_q_st, (0, 3, 1, 2))     # [B, C, H, W]
    return (embedding_loss, z_q_out, idx)

if __name__ == "__main__":
    import jax
    _d = setup_inputs()
    print(jax.jit(kernel)(*tuple(_d.values())))

</pallas_src>

<mosaic_0001>
#map = affine_map<(d0, d1) -> (0, 0)>
#map1 = affine_map<(d0, d1) -> (0, 0, 0)>
module attributes {stable_mosaic.version = 14 : i64} {
  func.func @_stgather_body(%arg0: i32, %arg1: i32, %arg2: memref<32x8192xf32, #tpu.memory_space<hbm>>, %arg3: memref<32x1024xi32, #tpu.memory_space<hbm>>, %arg4: memref<32x32x1024xf32, #tpu.memory_space<hbm>>, %arg5: memref<32x32x1024xf32, #tpu.memory_space<hbm>>, %arg6: memref<8192xf32, #tpu.memory_space<vmem>>, %arg7: memref<32x1024xi32, #tpu.memory_space<vmem>>, %arg8: memref<32x1024xf32, #tpu.memory_space<vmem>>, %arg9: memref<32x1024xf32, #tpu.memory_space<vmem>>) attributes {dimension_semantics = [#tpu.dimension_semantics<core_parallel>, #tpu.dimension_semantics<subcore_parallel>], iteration_bounds = array<i64: 2, 16>, scalar_prefetch = 0 : i64, scratch_operands = 4 : i64, tpu.core_type = #tpu.core_type<sc_vector_subcore>, window_params = [{transform_indices = #map}, {transform_indices = #map}, {transform_indices = #map1}, {transform_indices = #map1}]} {
    %mul3A = arith.constant 2 : i32
    %mul3A_0 = arith.muli %arg1, %mul3A : i32
    %add3A = arith.addi %mul3A_0, %arg0 : i32
    "tpu.region"() ({
      %run_scoped3A = tpu.sem_alloc : memref<!tpu.dma_semaphore, #tpu.memory_space<semaphore_mem>>
      %dma_start3A = arith.constant 0 : i32
      %dma_start3A_192 = tpu.memref_slice %arg2[%add3A, %dma_start3A] : memref<32x8192xf32, #tpu.memory_space<hbm>> -> memref<1x8192xf32, #tpu.memory_space<hbm>>
      %dma_start3A_193 = tpu.memref_squeeze %dma_start3A_192 : memref<1x8192xf32, #tpu.memory_space<hbm>> -> memref<8192xf32, #tpu.memory_space<hbm>>
      %dma_start3A_194 = arith.constant 0 : i32
      %dma_start3A_195 = tpu.memref_slice %arg2[%add3A, %dma_start3A_194] : memref<32x8192xf32, #tpu.memory_space<hbm>> -> memref<1x8192xf32, #tpu.memory_space<hbm>>
      %dma_start3A_196 = tpu.memref_squeeze %dma_start3A_195 : memref<1x8192xf32, #tpu.memory_space<hbm>> -> memref<8192xf32, #tpu.memory_space<hbm>>
      tpu.enqueue_dma source(%dma_start3A_196 : memref<8192xf32, #tpu.memory_space<hbm>>) target(%arg6 : memref<8192xf32, #tpu.memory_space<vmem>>) target_semaphore(%run_scoped3A : memref<!tpu.dma_semaphore, #tpu.memory_space<semaphore_mem>>)
      %dma_wait3A = arith.constant 0 : i32
      %dma_wait3A_197 = tpu.memref_slice %arg2[%add3A, %dma_wait3A] : memref<32x8192xf32, #tpu.memory_space<hbm>> -> memref<1x8192xf32, #tpu.memory_space<hbm>>
      %dma_wait3A_198 = tpu.memref_squeeze %dma_wait3A_197 : memref<1x8192xf32, #tpu.memory_space<hbm>> -> memref<8192xf32, #tpu.memory_space<hbm>>
      %dma_wait3A_199 = arith.constant 0 : i32
      %dma_wait3A_200 = tpu.memref_slice %arg2[%add3A, %dma_wait3A_199] : memref<32x8192xf32, #tpu.memory_space<hbm>> -> memref<1x8192xf32, #tpu.memory_space<hbm>>
      %dma_wait3A_201 = tpu.memref_squeeze %dma_wait3A_200 : memref<1x8192xf32, #tpu.memory_space<hbm>> -> memref<8192xf32, #tpu.memory_space<hbm>>
      tpu.wait_dma2 semaphore(%run_scoped3A : memref<!tpu.dma_semaphore, #tpu.memory_space<semaphore_mem>>) src(%dma_wait3A_201 : memref<8192xf32, #tpu.memory_space<hbm>>) dst(%arg6 : memref<8192xf32, #tpu.memory_space<vmem>>)
      tpu.yield
    }) : () -> ()
    "tpu.region"() ({
      %run_scoped3A = tpu.sem_alloc : memref<!tpu.dma_semaphore, #tpu.memory_space<semaphore_mem>>
      tpu.enqueue_dma source(%arg3 : memref<32x1024xi32, #tpu.memory_space<hbm>>) target(%arg7 : memref<32x1024xi32, #tpu.memory_space<vmem>>) target_semaphore(%run_scoped3A : memref<!tpu.dma_semaphore, #tpu.memory_space<semaphore_mem>>)
      tpu.wait_dma2 semaphore(%run_scoped3A : memref<!tpu.dma_semaphore, #tpu.memory_space<semaphore_mem>>) src(%arg3 : memref<32x1024xi32, #tpu.memory_space<hbm>>) dst(%arg7 : memref<32x1024xi32, #tpu.memory_space<vmem>>)
      tpu.yield
    }) : () -> ()
    "tpu.region"() ({
      %run_scoped3A = tpu.sem_alloc : memref<!tpu.dma_semaphore, #tpu.memory_space<semaphore_mem>>
      %dma_start3A = arith.constant 0 : i32
      %dma_start3A_192 = arith.constant 0 : i32
      %dma_start3A_193 = tpu.memref_slice %arg4[%dma_start3A, %add3A, %dma_start3A_192] : memref<32x32x1024xf32, #tpu.memory_space<hbm>> -> memref<32x1x1024xf32, #tpu.memory_space<hbm>>
      %dma_start3A_194 = tpu.memref_squeeze %dma_start3A_193 : memref<32x1x1024xf32, #tpu.memory_space<hbm>> -> memref<32x1024xf32, #tpu.memory_space<hbm>>
      %dma_start3A_195 = arith.constant 0 : i32
      %dma_start3A_196 = arith.constant 0 : i32
      %dma_start3A_197 = tpu.memref_slice %arg4[%dma_start3A_195, %add3A, %dma_start3A_196] : memref<32x32x1024xf32, #tpu.memory_space<hbm>> -> memref<32x1x1024xf32, #tpu.memory_space<hbm>>
      %dma_start3A_198 = tpu.memref_squeeze %dma_start3A_197 : memref<32x1x1024xf32, #tpu.memory_space<hbm>> -> memref<32x1024xf32, #tpu.memory_space<hbm>>
      tpu.enqueue_dma source(%dma_start3A_198 : memref<32x1024xf32, #tpu.memory_space<hbm>>) target(%arg8 : memref<32x1024xf32, #tpu.memory_space<vmem>>) target_semaphore(%run_scoped3A : memref<!tpu.dma_semaphore, #tpu.memory_space<semaphore_mem>>)
      %dma_wait3A = arith.constant 0 : i32
      %dma_wait3A_199 = arith.constant 0 : i32
      %dma_wait3A_200 = tpu.memref_slice %arg4[%dma_wait3A, %add3A, %dma_wait3A_199] : memref<32x32x1024xf32, #tpu.memory_space<hbm>> -> memref<32x1x1024xf32, #tpu.memory_space<hbm>>
      %dma_wait3A_201 = tpu.memref_squeeze %dma_wait3A_200 : memref<32x1x1024xf32, #tpu.memory_space<hbm>> -> memref<32x1024xf32, #tpu.memory_space<hbm>>
      %dma_wait3A_202 = arith.constant 0 : i32
      %dma_wait3A_203 = arith.constant 0 : i32
      %dma_wait3A_204 = tpu.memref_slice %arg4[%dma_wait3A_202, %add3A, %dma_wait3A_203] : memref<32x32x1024xf32, #tpu.memory_space<hbm>> -> memref<32x1x1024xf32, #tpu.memory_space<hbm>>
      %dma_wait3A_205 = tpu.memref_squeeze %dma_wait3A_204 : memref<32x1x1024xf32, #tpu.memory_space<hbm>> -> memref<32x1024xf32, #tpu.memory_space<hbm>>
      tpu.wait_dma2 semaphore(%run_scoped3A : memref<!tpu.dma_semaphore, #tpu.memory_space<semaphore_mem>>) src(%dma_wait3A_205 : memref<32x1024xf32, #tpu.memory_space<hbm>>) dst(%arg8 : memref<32x1024xf32, #tpu.memory_space<vmem>>)
      tpu.yield
    }) : () -> ()
    %scan3A = arith.constant 0 : i32
    %scan3A_1 = arith.constant 0 : i32
    %scan3A_2 = arith.constant 64 : i32
    %scan3A_3 = arith.addi %scan3A_1, %scan3A_2 : i32
    %scan3A_4 = arith.constant 1 : i32
    scf.for %scan3A_192 = %scan3A_1 to %scan3A_3 step %scan3A_4  : i32 {
      %mul3A_193 = arith.constant 16 : i32
      %mul3A_194 = arith.muli %scan3A_192, %mul3A_193 : i32
      %get3A = arith.constant 0 : i32
      %get3A_195 = arith.index_cast %get3A : i32 to index
      %get3A_196 = arith.index_cast %mul3A_194 : i32 to index
      %get3A_197 = tpu.vector_load %arg7[%get3A_195, %get3A_196] {strides = array<i32>} : memref<32x1024xi32, #tpu.memory_space<vmem>>, vector<16xi32>,
      %gather3A = tpu.vector_load_idx %arg6[%get3A_197] : memref<8192xf32, #tpu.memory_space<vmem>>[vector<16xi32>], vector<16xf32>,
      %get3A_198 = arith.constant 0 : i32
      %get3A_199 = arith.index_cast %get3A_198 : i32 to index
      %get3A_200 = arith.index_cast %mul3A_194 : i32 to index
      %get3A_201 = tpu.vector_load %arg8[%get3A_199, %get3A_200] {strides = array<i32>} : memref<32x1024xf32, #tpu.memory_space<vmem>>, vector<16xf32>,
      %sub3A = arith.subf %gather3A, %get3A_201 : vector<16xf32>
      %add3A_202 = arith.addf %get3A_201, %sub3A : vector<16xf32>
      %swap3A = arith.constant 0 : i32
      %swap3A_203 = arith.index_cast %swap3A : i32 to index
      %swap3A_204 = arith.index_cast %mul3A_194 : i32 to index
      %swap3A_205 = tpu.vector_load %arg9[%swap3A_203, %swap3A_204] {strides = array<i32>} : memref<32x1024xf32, #tpu.memory_space<vmem>>, vector<16xf32>,
      tpu.vector_store %arg9[%swap3A_203, %swap3A_204], %add3A_202 {strides = array<i32>} : memref<32x1024xf32, #tpu.memory_space<vmem>>, vector<16xf32>,
    }
    %scan3A_5 = arith.constant 64 : i32
    %scan3A_6 = arith.constant 0 : i32
    %scan3A_7 = arith.constant 0 : i32
    %scan3A_8 = arith.constant 64 : i32
    %scan3A_9 = arith.addi %scan3A_7, %scan3A_8 : i32
    %scan3A_10 = arith.constant 1 : i32
    scf.for %scan3A_192 = %scan3A_7 to %scan3A_9 step %scan3A_10  : i32 {
      %mul3A_193 = arith.constant 16 : i32
      %mul3A_194 = arith.muli %scan3A_192, %mul3A_193 : i32
      %get3A = arith.constant 1 : i32
      %get3A_195 = arith.index_cast %get3A : i32 to index
      %get3A_196 = arith.index_cast %mul3A_194 : i32 to index
      %get3A_197 = tpu.vector_load %arg7[%get3A_195, %get3A_196] {strides = array<i32>} : memref<32x1024xi32, #tpu.memory_space<vmem>>, vector<16xi32>,
      %gather3A = tpu.vector_load_idx %arg6[%get3A_197] : memref<8192xf32, #tpu.memory_space<vmem>>[vector<16xi32>], vector<16xf32>,
      %get3A_198 = arith.constant 1 : i32
      %get3A_199 = arith.index_cast %get3A_198 : i32 to index
      %get3A_200 = arith.index_cast %mul3A_194 : i32 to index
      %get3A_201 = tpu.vector_load %arg8[%get3A_199, %get3A_200] {strides = array<i32>} : memref<32x1024xf32, #tpu.memory_space<vmem>>, vector<16xf32>,
      %sub3A = arith.subf %gather3A, %get3A_201 : vector<16xf32>
      %add3A_202 = arith.addf %get3A_201, %sub3A : vector<16xf32>
      %swap3A = arith.constant 1 : i32
      %swap3A_203 = arith.index_cast %swap3A : i32 to index
      %swap3A_204 = arith.index_cast %mul3A_194 : i32 to index
      %swap3A_205 = tpu.vector_load %arg9[%swap3A_203, %swap3A_204] {strides = array<i32>} : memref<32x1024xf32, #tpu.memory_space<vmem>>, vector<16xf32>,
      tpu.vector_store %arg9[%swap3A_203, %swap3A_204], %add3A_202 {strides = array<i32>} : memref<32x1024xf32, #tpu.memory_space<vmem>>, vector<16xf32>,
    }
    %scan3A_11 = arith.constant 64 : i32
    %scan3A_12 = arith.constant 0 : i32
    %scan3A_13 = arith.constant 0 : i32
    %scan3A_14 = arith.constant 64 : i32
    %scan3A_15 = arith.addi %scan3A_13, %scan3A_14 : i32
    %scan3A_16 = arith.constant 1 : i32
    scf.for %scan3A_192 = %scan3A_13 to %scan3A_15 step %scan3A_16  : i32 {
      %mul3A_193 = arith.constant 16 : i32
      %mul3A_194 = arith.muli %scan3A_192, %mul3A_193 : i32
      %get3A = arith.constant 2 : i32
      %get3A_195 = arith.index_cast %get3A : i32 to index
      %get3A_196 = arith.index_cast %mul3A_194 : i32 to index
      %get3A_197 = tpu.vector_load %arg7[%get3A_195, %get3A_196] {strides = array<i32>} : memref<32x1024xi32, #tpu.memory_space<vmem>>, vector<16xi32>,
      %gather3A = tpu.vector_load_idx %arg6[%get3A_197] : memref<8192xf32, #tpu.memory_space<vmem>>[vector<16xi32>], vector<16xf32>,
      %get3A_198 = arith.constant 2 : i32
      %get3A_199 = arith.index_cast %get3A_198 : i32 to index
      %get3A_200 = arith.index_cast %mul3A_194 : i32 to index
      %get3A_201 = tpu.vector_load %arg8[%get3A_199, %get3A_200] {strides = array<i32>} : memref<32x1024xf32, #tpu.memory_space<vmem>>, vector<16xf32>,
      %sub3A = arith.subf %gather3A, %get3A_201 : vector<16xf32>
      %add3A_202 = arith.addf %get3A_201, %sub3A : vector<16xf32>
      %swap3A = arith.constant 2 : i32
      %swap3A_203 = arith.index_cast %swap3A : i32 to index
      %swap3A_204 = arith.index_cast %mul3A_194 : i32 to index
      %swap3A_205 = tpu.vector_load %arg9[%swap3A_203, %swap3A_204] {strides = array<i32>} : memref<32x1024xf32, #tpu.memory_space<vmem>>, vector<16xf32>,
      tpu.vector_store %arg9[%swap3A_203, %swap3A_204], %add3A_202 {strides = array<i32>} : memref<32x1024xf32, #tpu.memory_space<vmem>>, vector<16xf32>,
    }
    %scan3A_17 = arith.constant 64 : i32
    %scan3A_18 = arith.constant 0 : i32
    %scan3A_19 = arith.constant 0 : i32
    %scan3A_20 = arith.constant 64 : i32
    %scan3A_21 = arith.addi %scan3A_19, %scan3A_20 : i32
    %scan3A_22 = arith.constant 1 : i32
    scf.for %scan3A_192 = %scan3A_19 to %scan3A_21 step %scan3A_22  : i32 {
      %mul3A_193 = arith.constant 16 : i32
      %mul3A_194 = arith.muli %scan3A_192, %mul3A_193 : i32
      %get3A = arith.constant 3 : i32
      %get3A_195 = arith.index_cast %get3A : i32 to index
      %get3A_196 = arith.index_cast %mul3A_194 : i32 to index
      %get3A_197 = tpu.vector_load %arg7[%get3A_195, %get3A_196] {strides = array<i32>} : memref<32x1024xi32, #tpu.memory_space<vmem>>, vector<16xi32>,
      %gather3A = tpu.vector_load_idx %arg6[%get3A_197] : memref<8192xf32, #tpu.memory_space<vmem>>[vector<16xi32>], vector<16xf32>,
      %get3A_198 = arith.constant 3 : i32
      %get3A_199 = arith.index_cast %get3A_198 : i32 to index
      %get3A_200 = arith.index_cast %mul3A_194 : i32 to index
      %get3A_201 = tpu.vector_load %arg8[%get3A_199, %get3A_200] {strides = array<i32>} : memref<32x1024xf32, #tpu.memory_space<vmem>>, vector<16xf32>,
      %sub3A = arith.subf %gather3A, %get3A_201 : vector<16xf32>
      %add3A_202 = arith.addf %get3A_201, %sub3A : vector<16xf32>
      %swap3A = arith.constant 3 : i32
      %swap3A_203 = arith.index_cast %swap3A : i32 to index
      %swap3A_204 = arith.index_cast %mul3A_194 : i32 to index
      %swap3A_205 = tpu.vector_load %arg9[%swap3A_203, %swap3A_204] {strides = array<i32>} : memref<32x1024xf32, #tpu.memory_space<vmem>>, vector<16xf32>,
      tpu.vector_store %arg9[%swap3A_203, %swap3A_204], %add3A_202 {strides = array<i32>} : memref<32x1024xf32, #tpu.memory_space<vmem>>, vector<16xf32>,
    }
    %scan3A_23 = arith.constant 64 : i32
    %scan3A_24 = arith.constant 0 : i32
    %scan3A_25 = arith.constant 0 : i32
    %scan3A_26 = arith.constant 64 : i32
    %scan3A_27 = arith.addi %scan3A_25, %scan3A_26 : i32
    %scan3A_28 = arith.constant 1 : i32
    scf.for %scan3A_192 = %scan3A_25 to %scan3A_27 step %scan3A_28  : i32 {
      %mul3A_193 = arith.constant 16 : i32
      %mul3A_194 = arith.muli %scan3A_192, %mul3A_193 : i32
      %get3A = arith.constant 4 : i32
      %get3A_195 = arith.index_cast %get3A : i32 to index
      %get3A_196 = arith.index_cast %mul3A_194 : i32 to index
      %get3A_197 = tpu.vector_load %arg7[%get3A_195, %get3A_196] {strides = array<i32>} : memref<32x1024xi32, #tpu.memory_space<vmem>>, vector<16xi32>,
      %gather3A = tpu.vector_load_idx %arg6[%get3A_197] : memref<8192xf32, #tpu.memory_space<vmem>>[vector<16xi32>], vector<16xf32>,
      %get3A_198 = arith.constant 4 : i32
      %get3A_199 = arith.index_cast %get3A_198 : i32 to index
      %get3A_200 = arith.index_cast %mul3A_194 : i32 to index
      %get3A_201 = tpu.vector_load %arg8[%get3A_199, %get3A_200] {strides = array<i32>} : memref<32x1024xf32, #tpu.memory_space<vmem>>, vector<16xf32>,
      %sub3A = arith.subf %gather3A, %get3A_201 : vector<16xf32>
      %add3A_202 = arith.addf %get3A_201, %sub3A : vector<16xf32>
      %swap3A = arith.constant 4 : i32
      %swap3A_203 = arith.index_cast %swap3A : i32 to index
      %swap3A_204 = arith.index_cast %mul3A_194 : i32 to index
      %swap3A_205 = tpu.vector_load %arg9[%swap3A_203, %swap3A_204] {strides = array<i32>} : memref<32x1024xf32, #tpu.memory_space<vmem>>, vector<16xf32>,
      tpu.vector_store %arg9[%swap3A_203, %swap3A_204], %add3A_202 {strides = array<i32>} : memref<32x1024xf32, #tpu.memory_space<vmem>>, vector<16xf32>,
    }
    %scan3A_29 = arith.constant 64 : i32
    %scan3A_30 = arith.constant 0 : i32
    %scan3A_31 = arith.constant 0 : i32
    %scan3A_32 = arith.constant 64 : i32
    %scan3A_33 = arith.addi %scan3A_31, %scan3A_32 : i32
    %scan3A_34 = arith.constant 1 : i32
    scf.for %scan3A_192 = %scan3A_31 to %scan3A_33 step %scan3A_34  : i32 {
      %mul3A_193 = arith.constant 16 : i32
      %mul3A_194 = arith.muli %scan3A_192, %mul3A_193 : i32
      %get3A = arith.constant 5 : i32
      %get3A_195 = arith.index_cast %get3A : i32 to index
      %get3A_196 = arith.index_cast %mul3A_194 : i32 to index
      %get3A_197 = tpu.vector_load %arg7[%get3A_195, %get3A_196] {strides = array<i32>} : memref<32x1024xi32, #tpu.memory_space<vmem>>, vector<16xi32>,
      %gather3A = tpu.vector_load_idx %arg6[%get3A_197] : memref<8192xf32, #tpu.memory_space<vmem>>[vector<16xi32>], vector<16xf32>,
      %get3A_198 = arith.constant 5 : i32
      %get3A_199 = arith.index_cast %get3A_198 : i32 to index
      %get3A_200 = arith.index_cast %mul3A_194 : i32 to index
      %get3A_201 = tpu.vector_load %arg8[%get3A_199, %get3A_200] {strides = array<i32>} : memref<32x1024xf32, #tpu.memory_space<vmem>>, vector<16xf32>,
      %sub3A = arith.subf %gather3A, %get3A_201 : vector<16xf32>
      %add3A_202 = arith.addf %get3A_201, %sub3A : vector<16xf32>
      %swap3A = arith.constant 5 : i32
      %swap3A_203 = arith.index_cast %swap3A : i32 to index
      %swap3A_204 = arith.index_cast %mul3A_194 : i32 to index
      %swap3A_205 = tpu.vector_load %arg9[%swap3A_203, %swap3A_204] {strides = array<i32>} : memref<32x1024xf32, #tpu.memory_space<vmem>>, vector<16xf32>,
      tpu.vector_store %arg9[%swap3A_203, %swap3A_204], %add3A_202 {strides = array<i32>} : memref<32x1024xf32, #tpu.memory_space<vmem>>, vector<16xf32>,
    }
    %scan3A_35 = arith.constant 64 : i32
    %scan3A_36 = arith.constant 0 : i32
    %scan3A_37 = arith.constant 0 : i32
    %scan3A_38 = arith.constant 64 : i32
    %scan3A_39 = arith.addi %scan3A_37, %scan3A_38 : i32
    %scan3A_40 = arith.constant 1 : i32
    scf.for %scan3A_192 = %scan3A_37 to %scan3A_39 step %scan3A_40  : i32 {
      %mul3A_193 = arith.constant 16 : i32
      %mul3A_194 = arith.muli %scan3A_192, %mul3A_193 : i32
      %get3A = arith.constant 6 : i32
      %get3A_195 = arith.index_cast %get3A : i32 to index
      %get3A_196 = arith.index_cast %mul3A_194 : i32 to index
      %get3A_197 = tpu.vector_load %arg7[%get3A_195, %get3A_196] {strides = array<i32>} : memref<32x1024xi32, #tpu.memory_space<vmem>>, vector<16xi32>,
      %gather3A = tpu.vector_load_idx %arg6[%get3A_197] : memref<8192xf32, #tpu.memory_space<vmem>>[vector<16xi32>], vector<16xf32>,
      %get3A_198 = arith.constant 6 : i32
      %get3A_199 = arith.index_cast %get3A_198 : i32 to index
      %get3A_200 = arith.index_cast %mul3A_194 : i32 to index
      %get3A_201 = tpu.vector_load %arg8[%get3A_199, %get3A_200] {strides = array<i32>} : memref<32x1024xf32, #tpu.memory_space<vmem>>, vector<16xf32>,
      %sub3A = arith.subf %gather3A, %get3A_201 : vector<16xf32>
      %add3A_202 = arith.addf %get3A_201, %sub3A : vector<16xf32>
      %swap3A = arith.constant 6 : i32
      %swap3A_203 = arith.index_cast %swap3A : i32 to index
      %swap3A_204 = arith.index_cast %mul3A_194 : i32 to index
      %swap3A_205 = tpu.vector_load %arg9[%swap3A_203, %swap3A_204] {strides = array<i32>} : memref<32x1024xf32, #tpu.memory_space<vmem>>, vector<16xf32>,
      tpu.vector_store %arg9[%swap3A_203, %swap3A_204], %add3A_202 {strides = array<i32>} : memref<32x1024xf32, #tpu.memory_space<vmem>>, vector<16xf32>,
    }
    %scan3A_41 = arith.constant 64 : i32
    %scan3A_42 = arith.constant 0 : i32
    %scan3A_43 = arith.constant 0 : i32
    %scan3A_44 = arith.constant 64 : i32
    %scan3A_45 = arith.addi %scan3A_43, %scan3A_44 : i32
    %scan3A_46 = arith.constant 1 : i32
    scf.for %scan3A_192 = %scan3A_43 to %scan3A_45 step %scan3A_46  : i32 {
      %mul3A_193 = arith.constant 16 : i32
      %mul3A_194 = arith.muli %scan3A_192, %mul3A_193 : i32
      %get3A = arith.constant 7 : i32
      %get3A_195 = arith.index_cast %get3A : i32 to index
      %get3A_196 = arith.index_cast %mul3A_194 : i32 to index
      %get3A_197 = tpu.vector_load %arg7[%get3A_195, %get3A_196] {strides = array<i32>} : memref<32x1024xi32, #tpu.memory_space<vmem>>, vector<16xi32>,
      %gather3A = tpu.vector_load_idx %arg6[%get3A_197] : memref<8192xf32, #tpu.memory_space<vmem>>[vector<16xi32>], vector<16xf32>,
      %get3A_198 = arith.constant 7 : i32
      %get3A_199 = arith.index_cast %get3A_198 : i32 to index
      %get3A_200 = arith.index_cast %mul3A_194 : i32 to index
      %get3A_201 = tpu.vector_load %arg8[%get3A_199, %get3A_200] {strides = array<i32>} : memref<32x1024xf32, #tpu.memory_space<vmem>>, vector<16xf32>,
      %sub3A = arith.subf %gather3A, %get3A_201 : vector<16xf32>
      %add3A_202 = arith.addf %get3A_201, %sub3A : vector<16xf32>
      %swap3A = arith.constant 7 : i32
      %swap3A_203 = arith.index_cast %swap3A : i32 to index
      %swap3A_204 = arith.index_cast %mul3A_194 : i32 to index
      %swap3A_205 = tpu.vector_load %arg9[%swap3A_203, %swap3A_204] {strides = array<i32>} : memref<32x1024xf32, #tpu.memory_space<vmem>>, vector<16xf32>,
      tpu.vector_store %arg9[%swap3A_203, %swap3A_204], %add3A_202 {strides = array<i32>} : memref<32x1024xf32, #tpu.memory_space<vmem>>, vector<16xf32>,
    }
    %scan3A_47 = arith.constant 64 : i32
    %scan3A_48 = arith.constant 0 : i32
    %scan3A_49 = arith.constant 0 : i32
    %scan3A_50 = arith.constant 64 : i32
    %scan3A_51 = arith.addi %scan3A_49, %scan3A_50 : i32
    %scan3A_52 = arith.constant 1 : i32
    scf.for %scan3A_192 = %scan3A_49 to %scan3A_51 step %scan3A_52  : i32 {
      %mul3A_193 = arith.constant 16 : i32
      %mul3A_194 = arith.muli %scan3A_192, %mul3A_193 : i32
      %get3A = arith.constant 8 : i32
      %get3A_195 = arith.index_cast %get3A : i32 to index
      %get3A_196 = arith.index_cast %mul3A_194 : i32 to index
      %get3A_197 = tpu.vector_load %arg7[%get3A_195, %get3A_196] {strides = array<i32>} : memref<32x1024xi32, #tpu.memory_space<vmem>>, vector<16xi32>,
      %gather3A = tpu.vector_load_idx %arg6[%get3A_197] : memref<8192xf32, #tpu.memory_space<vmem>>[vector<16xi32>], vector<16xf32>,
      %get3A_198 = arith.constant 8 : i32
      %get3A_199 = arith.index_cast %get3A_198 : i32 to index
      %get3A_200 = arith.index_cast %mul3A_194 : i32 to index
      %get3A_201 = tpu.vector_load %arg8[%get3A_199, %get3A_200] {strides = array<i32>} : memref<32x1024xf32, #tpu.memory_space<vmem>>, vector<16xf32>,
      %sub3A = arith.subf %gather3A, %get3A_201 : vector<16xf32>
      %add3A_202 = arith.addf %get3A_201, %sub3A : vector<16xf32>
      %swap3A = arith.constant 8 : i32
      %swap3A_203 = arith.index_cast %swap3A : i32 to index
      %swap3A_204 = arith.index_cast %mul3A_194 : i32 to index
      %swap3A_205 = tpu.vector_load %arg9[%swap3A_203, %swap3A_204] {strides = array<i32>} : memref<32x1024xf32, #tpu.memory_space<vmem>>, vector<16xf32>,
      tpu.vector_store %arg9[%swap3A_203, %swap3A_204], %add3A_202 {strides = array<i32>} : memref<32x1024xf32, #tpu.memory_space<vmem>>, vector<16xf32>,
    }
    %scan3A_53 = arith.constant 64 : i32
    %scan3A_54 = arith.constant 0 : i32
    %scan3A_55 = arith.constant 0 : i32
    %scan3A_56 = arith.constant 64 : i32
    %scan3A_57 = arith.addi %scan3A_55, %scan3A_56 : i32
    %scan3A_58 = arith.constant 1 : i32
    scf.for %scan3A_192 = %scan3A_55 to %scan3A_57 step %scan3A_58  : i32 {
      %mul3A_193 = arith.constant 16 : i32
      %mul3A_194 = arith.muli %scan3A_192, %mul3A_193 : i32
      %get3A = arith.constant 9 : i32
      %get3A_195 = arith.index_cast %get3A : i32 to index
      %get3A_196 = arith.index_cast %mul3A_194 : i32 to index
      %get3A_197 = tpu.vector_load %arg7[%get3A_195, %get3A_196] {strides = array<i32>} : memref<32x1024xi32, #tpu.memory_space<vmem>>, vector<16xi32>,
      %gather3A = tpu.vector_load_idx %arg6[%get3A_197] : memref<8192xf32, #tpu.memory_space<vmem>>[vector<16xi32>], vector<16xf32>,
      %get3A_198 = arith.constant 9 : i32
      %get3A_199 = arith.index_cast %get3A_198 : i32 to index
      %get3A_200 = arith.index_cast %mul3A_194 : i32 to index
      %get3A_201 = tpu.vector_load %arg8[%get3A_199, %get3A_200] {strides = array<i32>} : memref<32x1024xf32, #tpu.memory_space<vmem>>, vector<16xf32>,
      %sub3A = arith.subf %gather3A, %get3A_201 : vector<16xf32>
      %add3A_202 = arith.addf %get3A_201, %sub3A : vector<16xf32>
      %swap3A = arith.constant 9 : i32
      %swap3A_203 = arith.index_cast %swap3A : i32 to index
      %swap3A_204 = arith.index_cast %mul3A_194 : i32 to index
      %swap3A_205 = tpu.vector_load %arg9[%swap3A_203, %swap3A_204] {strides = array<i32>} : memref<32x1024xf32, #tpu.memory_space<vmem>>, vector<16xf32>,
      tpu.vector_store %arg9[%swap3A_203, %swap3A_204], %add3A_202 {strides = array<i32>} : memref<32x1024xf32, #tpu.memory_space<vmem>>, vector<16xf32>,
    }
    %scan3A_59 = arith.constant 64 : i32
    %scan3A_60 = arith.constant 0 : i32
    %scan3A_61 = arith.constant 0 : i32
    %scan3A_62 = arith.constant 64 : i32
    %scan3A_63 = arith.addi %scan3A_61, %scan3A_62 : i32
    %scan3A_64 = arith.constant 1 : i32
    scf.for %scan3A_192 = %scan3A_61 to %scan3A_63 step %scan3A_64  : i32 {
      %mul3A_193 = arith.constant 16 : i32
      %mul3A_194 = arith.muli %scan3A_192, %mul3A_193 : i32
      %get3A = arith.constant 10 : i32
      %get3A_195 = arith.index_cast %get3A : i32 to index
      %get3A_196 = arith.index_cast %mul3A_194 : i32 to index
      %get3A_197 = tpu.vector_load %arg7[%get3A_195, %get3A_196] {strides = array<i32>} : memref<32x1024xi32, #tpu.memory_space<vmem>>, vector<16xi32>,
      %gather3A = tpu.vector_load_idx %arg6[%get3A_197] : memref<8192xf32, #tpu.memory_space<vmem>>[vector<16xi32>], vector<16xf32>,
      %get3A_198 = arith.constant 10 : i32
      %get3A_199 = arith.index_cast %get3A_198 : i32 to index
      %get3A_200 = arith.index_cast %mul3A_194 : i32 to index
      %get3A_201 = tpu.vector_load %arg8[%get3A_199, %get3A_200] {strides = array<i32>} : memref<32x1024xf32, #tpu.memory_space<vmem>>, vector<16xf32>,
      %sub3A = arith.subf %gather3A, %get3A_201 : vector<16xf32>
      %add3A_202 = arith.addf %get3A_201, %sub3A : vector<16xf32>
      %swap3A = arith.constant 10 : i32
      %swap3A_203 = arith.index_cast %swap3A : i32 to index
      %swap3A_204 = arith.index_cast %mul3A_194 : i32 to index
      %swap3A_205 = tpu.vector_load %arg9[%swap3A_203, %swap3A_204] {strides = array<i32>} : memref<32x1024xf32, #tpu.memory_space<vmem>>, vector<16xf32>,
      tpu.vector_store %arg9[%swap3A_203, %swap3A_204], %add3A_202 {strides = array<i32>} : memref<32x1024xf32, #tpu.memory_space<vmem>>, vector<16xf32>,
    }
    %scan3A_65 = arith.constant 64 : i32
    %scan3A_66 = arith.constant 0 : i32
    %scan3A_67 = arith.constant 0 : i32
    %scan3A_68 = arith.constant 64 : i32
    %scan3A_69 = arith.addi %scan3A_67, %scan3A_68 : i32
    %scan3A_70 = arith.constant 1 : i32
    scf.for %scan3A_192 = %scan3A_67 to %scan3A_69 step %scan3A_70  : i32 {
      %mul3A_193 = arith.constant 16 : i32
      %mul3A_194 = arith.muli %scan3A_192, %mul3A_193 : i32
      %get3A = arith.constant 11 : i32
      %get3A_195 = arith.index_cast %get3A : i32 to index
      %get3A_196 = arith.index_cast %mul3A_194 : i32 to index
      %get3A_197 = tpu.vector_load %arg7[%get3A_195, %get3A_196] {strides = array<i32>} : memref<32x1024xi32, #tpu.memory_space<vmem>>, vector<16xi32>,
      %gather3A = tpu.vector_load_idx %arg6[%get3A_197] : memref<8192xf32, #tpu.memory_space<vmem>>[vector<16xi32>], vector<16xf32>,
      %get3A_198 = arith.constant 11 : i32
      %get3A_199 = arith.index_cast %get3A_198 : i32 to index
      %get3A_200 = arith.index_cast %mul3A_194 : i32 to index
      %get3A_201 = tpu.vector_load %arg8[%get3A_199, %get3A_200] {strides = array<i32>} : memref<32x1024xf32, #tpu.memory_space<vmem>>, vector<16xf32>,
      %sub3A = arith.subf %gather3A, %get3A_201 : vector<16xf32>
      %add3A_202 = arith.addf %get3A_201, %sub3A : vector<16xf32>
      %swap3A = arith.constant 11 : i32
      %swap3A_203 = arith.index_cast %swap3A : i32 to index
      %swap3A_204 = arith.index_cast %mul3A_194 : i32 to index
      %swap3A_205 = tpu.vector_load %arg9[%swap3A_203, %swap3A_204] {strides = array<i32>} : memref<32x1024xf32, #tpu.memory_space<vmem>>, vector<16xf32>,
      tpu.vector_store %arg9[%swap3A_203, %swap3A_204], %add3A_202 {strides = array<i32>} : memref<32x1024xf32, #tpu.memory_space<vmem>>, vector<16xf32>,
    }
    %scan3A_71 = arith.constant 64 : i32
    %scan3A_72 = arith.constant 0 : i32
    %scan3A_73 = arith.constant 0 : i32
    %scan3A_74 = arith.constant 64 : i32
    %scan3A_75 = arith.addi %scan3A_73, %scan3A_74 : i32
    %scan3A_76 = arith.constant 1 : i32
    scf.for %scan3A_192 = %scan3A_73 to %scan3A_75 step %scan3A_76  : i32 {
      %mul3A_193 = arith.constant 16 : i32
      %mul3A_194 = arith.muli %scan3A_192, %mul3A_193 : i32
      %get3A = arith.constant 12 : i32
      %get3A_195 = arith.index_cast %get3A : i32 to index
      %get3A_196 = arith.index_cast %mul3A_194 : i32 to index
      %get3A_197 = tpu.vector_load %arg7[%get3A_195, %get3A_196] {strides = array<i32>} : memref<32x1024xi32, #tpu.memory_space<vmem>>, vector<16xi32>,
      %gather3A = tpu.vector_load_idx %arg6[%get3A_197] : memref<8192xf32, #tpu.memory_space<vmem>>[vector<16xi32>], vector<16xf32>,
      %get3A_198 = arith.constant 12 : i32
      %get3A_199 = arith.index_cast %get3A_198 : i32 to index
      %get3A_200 = arith.index_cast %mul3A_194 : i32 to index
      %get3A_201 = tpu.vector_load %arg8[%get3A_199, %get3A_200] {strides = array<i32>} : memref<32x1024xf32, #tpu.memory_space<vmem>>, vector<16xf32>,
      %sub3A = arith.subf %gather3A, %get3A_201 : vector<16xf32>
      %add3A_202 = arith.addf %get3A_201, %sub3A : vector<16xf32>
      %swap3A = arith.constant 12 : i32
      %swap3A_203 = arith.index_cast %swap3A : i32 to index
      %swap3A_204 = arith.index_cast %mul3A_194 : i32 to index
      %swap3A_205 = tpu.vector_load %arg9[%swap3A_203, %swap3A_204] {strides = array<i32>} : memref<32x1024xf32, #tpu.memory_space<vmem>>, vector<16xf32>,
      tpu.vector_store %arg9[%swap3A_203, %swap3A_204], %add3A_202 {strides = array<i32>} : memref<32x1024xf32, #tpu.memory_space<vmem>>, vector<16xf32>,
    }
    %scan3A_77 = arith.constant 64 : i32
    %scan3A_78 = arith.constant 0 : i32
    %scan3A_79 = arith.constant 0 : i32
    %scan3A_80 = arith.constant 64 : i32
    %scan3A_81 = arith.addi %scan3A_79, %scan3A_80 : i32
    %scan3A_82 = arith.constant 1 : i32
    scf.for %scan3A_192 = %scan3A_79 to %scan3A_81 step %scan3A_82  : i32 {
      %mul3A_193 = arith.constant 16 : i32
      %mul3A_194 = arith.muli %scan3A_192, %mul3A_193 : i32
      %get3A = arith.constant 13 : i32
      %get3A_195 = arith.index_cast %get3A : i32 to index
      %get3A_196 = arith.index_cast %mul3A_194 : i32 to index
      %get3A_197 = tpu.vector_load %arg7[%get3A_195, %get3A_196] {strides = array<i32>} : memref<32x1024xi32, #tpu.memory_space<vmem>>, vector<16xi32>,
      %gather3A = tpu.vector_load_idx %arg6[%get3A_197] : memref<8192xf32, #tpu.memory_space<vmem>>[vector<16xi32>], vector<16xf32>,
      %get3A_198 = arith.constant 13 : i32
      %get3A_199 = arith.index_cast %get3A_198 : i32 to index
      %get3A_200 = arith.index_cast %mul3A_194 : i32 to index
      %get3A_201 = tpu.vector_load %arg8[%get3A_199, %get3A_200] {strides = array<i32>} : memref<32x1024xf32, #tpu.memory_space<vmem>>, vector<16xf32>,
      %sub3A = arith.subf %gather3A, %get3A_201 : vector<16xf32>
      %add3A_202 = arith.addf %get3A_201, %sub3A : vector<16xf32>
      %swap3A = arith.constant 13 : i32
      %swap3A_203 = arith.index_cast %swap3A : i32 to index
      %swap3A_204 = arith.index_cast %mul3A_194 : i32 to index
      %swap3A_205 = tpu.vector_load %arg9[%swap3A_203, %swap3A_204] {strides = array<i32>} : memref<32x1024xf32, #tpu.memory_space<vmem>>, vector<16xf32>,
      tpu.vector_store %arg9[%swap3A_203, %swap3A_204], %add3A_202 {strides = array<i32>} : memref<32x1024xf32, #tpu.memory_space<vmem>>, vector<16xf32>,
    }
    %scan3A_83 = arith.constant 64 : i32
    %scan3A_84 = arith.constant 0 : i32
    %scan3A_85 = arith.constant 0 : i32
    %scan3A_86 = arith.constant 64 : i32
    %scan3A_87 = arith.addi %scan3A_85, %scan3A_86 : i32
    %scan3A_88 = arith.constant 1 : i32
    scf.for %scan3A_192 = %scan3A_85 to %scan3A_87 step %scan3A_88  : i32 {
      %mul3A_193 = arith.constant 16 : i32
      %mul3A_194 = arith.muli %scan3A_192, %mul3A_193 : i32
      %get3A = arith.constant 14 : i32
      %get3A_195 = arith.index_cast %get3A : i32 to index
      %get3A_196 = arith.index_cast %mul3A_194 : i32 to index
      %get3A_197 = tpu.vector_load %arg7[%get3A_195, %get3A_196] {strides = array<i32>} : memref<32x1024xi32, #tpu.memory_space<vmem>>, vector<16xi32>,
      %gather3A = tpu.vector_load_idx %arg6[%get3A_197] : memref<8192xf32, #tpu.memory_space<vmem>>[vector<16xi32>], vector<16xf32>,
      %get3A_198 = arith.constant 14 : i32
      %get3A_199 = arith.index_cast %get3A_198 : i32 to index
      %get3A_200 = arith.index_cast %mul3A_194 : i32 to index
      %get3A_201 = tpu.vector_load %arg8[%get3A_199, %get3A_200] {strides = array<i32>} : memref<32x1024xf32, #tpu.memory_space<vmem>>, vector<16xf32>,
      %sub3A = arith.subf %gather3A, %get3A_201 : vector<16xf32>
      %add3A_202 = arith.addf %get3A_201, %sub3A : vector<16xf32>
      %swap3A = arith.constant 14 : i32
      %swap3A_203 = arith.index_cast %swap3A : i32 to index
      %swap3A_204 = arith.index_cast %mul3A_194 : i32 to index
      %swap3A_205 = tpu.vector_load %arg9[%swap3A_203, %swap3A_204] {strides = array<i32>} : memref<32x1024xf32, #tpu.memory_space<vmem>>, vector<16xf32>,
      tpu.vector_store %arg9[%swap3A_203, %swap3A_204], %add3A_202 {strides = array<i32>} : memref<32x1024xf32, #tpu.memory_space<vmem>>, vector<16xf32>,
    }
    %scan3A_89 = arith.constant 64 : i32
    %scan3A_90 = arith.constant 0 : i32
    %scan3A_91 = arith.constant 0 : i32
    %scan3A_92 = arith.constant 64 : i32
    %scan3A_93 = arith.addi %scan3A_91, %scan3A_92 : i32
    %scan3A_94 = arith.constant 1 : i32
    scf.for %scan3A_192 = %scan3A_91 to %scan3A_93 step %scan3A_94  : i32 {
      %mul3A_193 = arith.constant 16 : i32
      %mul3A_194 = arith.muli %scan3A_192, %mul3A_193 : i32
      %get3A = arith.constant 15 : i32
      %get3A_195 = arith.index_cast %get3A : i32 to index
      %get3A_196 = arith.index_cast %mul3A_194 : i32 to index
      %get3A_197 = tpu.vector_load %arg7[%get3A_195, %get3A_196] {strides = array<i32>} : memref<32x1024xi32, #tpu.memory_space<vmem>>, vector<16xi32>,
      %gather3A = tpu.vector_load_idx %arg6[%get3A_197] : memref<8192xf32, #tpu.memory_space<vmem>>[vector<16xi32>], vector<16xf32>,
      %get3A_198 = arith.constant 15 : i32
      %get3A_199 = arith.index_cast %get3A_198 : i32 to index
      %get3A_200 = arith.index_cast %mul3A_194 : i32 to index
      %get3A_201 = tpu.vector_load %arg8[%get3A_199, %get3A_200] {strides = array<i32>} : memref<32x1024xf32, #tpu.memory_space<vmem>>, vector<16xf32>,
      %sub3A = arith.subf %gather3A, %get3A_201 : vector<16xf32>
      %add3A_202 = arith.addf %get3A_201, %sub3A : vector<16xf32>
      %swap3A = arith.constant 15 : i32
      %swap3A_203 = arith.index_cast %swap3A : i32 to index
      %swap3A_204 = arith.index_cast %mul3A_194 : i32 to index
      %swap3A_205 = tpu.vector_load %arg9[%swap3A_203, %swap3A_204] {strides = array<i32>} : memref<32x1024xf32, #tpu.memory_space<vmem>>, vector<16xf32>,
      tpu.vector_store %arg9[%swap3A_203, %swap3A_204], %add3A_202 {strides = array<i32>} : memref<32x1024xf32, #tpu.memory_space<vmem>>, vector<16xf32>,
    }
    %scan3A_95 = arith.constant 64 : i32
    %scan3A_96 = arith.constant 0 : i32
    %scan3A_97 = arith.constant 0 : i32
    %scan3A_98 = arith.constant 64 : i32
    %scan3A_99 = arith.addi %scan3A_97, %scan3A_98 : i32
    %scan3A_100 = arith.constant 1 : i32
    scf.for %scan3A_192 = %scan3A_97 to %scan3A_99 step %scan3A_100  : i32 {
      %mul3A_193 = arith.constant 16 : i32
      %mul3A_194 = arith.muli %scan3A_192, %mul3A_193 : i32
      %get3A = arith.constant 16 : i32
      %get3A_195 = arith.index_cast %get3A : i32 to index
      %get3A_196 = arith.index_cast %mul3A_194 : i32 to index
      %get3A_197 = tpu.vector_load %arg7[%get3A_195, %get3A_196] {strides = array<i32>} : memref<32x1024xi32, #tpu.memory_space<vmem>>, vector<16xi32>,
      %gather3A = tpu.vector_load_idx %arg6[%get3A_197] : memref<8192xf32, #tpu.memory_space<vmem>>[vector<16xi32>], vector<16xf32>,
      %get3A_198 = arith.constant 16 : i32
      %get3A_199 = arith.index_cast %get3A_198 : i32 to index
      %get3A_200 = arith.index_cast %mul3A_194 : i32 to index
      %get3A_201 = tpu.vector_load %arg8[%get3A_199, %get3A_200] {strides = array<i32>} : memref<32x1024xf32, #tpu.memory_space<vmem>>, vector<16xf32>,
      %sub3A = arith.subf %gather3A, %get3A_201 : vector<16xf32>
      %add3A_202 = arith.addf %get3A_201, %sub3A : vector<16xf32>
      %swap3A = arith.constant 16 : i32
      %swap3A_203 = arith.index_cast %swap3A : i32 to index
      %swap3A_204 = arith.index_cast %mul3A_194 : i32 to index
      %swap3A_205 = tpu.vector_load %arg9[%swap3A_203, %swap3A_204] {strides = array<i32>} : memref<32x1024xf32, #tpu.memory_space<vmem>>, vector<16xf32>,
      tpu.vector_store %arg9[%swap3A_203, %swap3A_204], %add3A_202 {strides = array<i32>} : memref<32x1024xf32, #tpu.memory_space<vmem>>, vector<16xf32>,
    }
    %scan3A_101 = arith.constant 64 : i32
    %scan3A_102 = arith.constant 0 : i32
    %scan3A_103 = arith.constant 0 : i32
    %scan3A_104 = arith.constant 64 : i32
    %scan3A_105 = arith.addi %scan3A_103, %scan3A_104 : i32
    %scan3A_106 = arith.constant 1 : i32
    scf.for %scan3A_192 = %scan3A_103 to %scan3A_105 step %scan3A_106  : i32 {
      %mul3A_193 = arith.constant 16 : i32
      %mul3A_194 = arith.muli %scan3A_192, %mul3A_193 : i32
      %get3A = arith.constant 17 : i32
      %get3A_195 = arith.index_cast %get3A : i32 to index
      %get3A_196 = arith.index_cast %mul3A_194 : i32 to index
      %get3A_197 = tpu.vector_load %arg7[%get3A_195, %get3A_196] {strides = array<i32>} : memref<32x1024xi32, #tpu.memory_space<vmem>>, vector<16xi32>,
      %gather3A = tpu.vector_load_idx %arg6[%get3A_197] : memref<8192xf32, #tpu.memory_space<vmem>>[vector<16xi32>], vector<16xf32>,
      %get3A_198 = arith.constant 17 : i32
      %get3A_199 = arith.index_cast %get3A_198 : i32 to index
      %get3A_200 = arith.index_cast %mul3A_194 : i32 to index
      %get3A_201 = tpu.vector_load %arg8[%get3A_199, %get3A_200] {strides = array<i32>} : memref<32x1024xf32, #tpu.memory_space<vmem>>, vector<16xf32>,
      %sub3A = arith.subf %gather3A, %get3A_201 : vector<16xf32>
      %add3A_202 = arith.addf %get3A_201, %sub3A : vector<16xf32>
      %swap3A = arith.constant 17 : i32
      %swap3A_203 = arith.index_cast %swap3A : i32 to index
      %swap3A_204 = arith.index_cast %mul3A_194 : i32 to index
      %swap3A_205 = tpu.vector_load %arg9[%swap3A_203, %swap3A_204] {strides = array<i32>} : memref<32x1024xf32, #tpu.memory_space<vmem>>, vector<16xf32>,
      tpu.vector_store %arg9[%swap3A_203, %swap3A_204], %add3A_202 {strides = array<i32>} : memref<32x1024xf32, #tpu.memory_space<vmem>>, vector<16xf32>,
    }
    %scan3A_107 = arith.constant 64 : i32
    %scan3A_108 = arith.constant 0 : i32
    %scan3A_109 = arith.constant 0 : i32
    %scan3A_110 = arith.constant 64 : i32
    %scan3A_111 = arith.addi %scan3A_109, %scan3A_110 : i32
    %scan3A_112 = arith.constant 1 : i32
    scf.for %scan3A_192 = %scan3A_109 to %scan3A_111 step %scan3A_112  : i32 {
      %mul3A_193 = arith.constant 16 : i32
      %mul3A_194 = arith.muli %scan3A_192, %mul3A_193 : i32
      %get3A = arith.constant 18 : i32
      %get3A_195 = arith.index_cast %get3A : i32 to index
      %get3A_196 = arith.index_cast %mul3A_194 : i32 to index
      %get3A_197 = tpu.vector_load %arg7[%get3A_195, %get3A_196] {strides = array<i32>} : memref<32x1024xi32, #tpu.memory_space<vmem>>, vector<16xi32>,
      %gather3A = tpu.vector_load_idx %arg6[%get3A_197] : memref<8192xf32, #tpu.memory_space<vmem>>[vector<16xi32>], vector<16xf32>,
      %get3A_198 = arith.constant 18 : i32
      %get3A_199 = arith.index_cast %get3A_198 : i32 to index
      %get3A_200 = arith.index_cast %mul3A_194 : i32 to index
      %get3A_201 = tpu.vector_load %arg8[%get3A_199, %get3A_200] {strides = array<i32>} : memref<32x1024xf32, #tpu.memory_space<vmem>>, vector<16xf32>,
      %sub3A = arith.subf %gather3A, %get3A_201 : vector<16xf32>
      %add3A_202 = arith.addf %get3A_201, %sub3A : vector<16xf32>
      %swap3A = arith.constant 18 : i32
      %swap3A_203 = arith.index_cast %swap3A : i32 to index
      %swap3A_204 = arith.index_cast %mul3A_194 : i32 to index
      %swap3A_205 = tpu.vector_load %arg9[%swap3A_203, %swap3A_204] {strides = array<i32>} : memref<32x1024xf32, #tpu.memory_space<vmem>>, vector<16xf32>,
      tpu.vector_store %arg9[%swap3A_203, %swap3A_204], %add3A_202 {strides = array<i32>} : memref<32x1024xf32, #tpu.memory_space<vmem>>, vector<16xf32>,
    }
    %scan3A_113 = arith.constant 64 : i32
    %scan3A_114 = arith.constant 0 : i32
    %scan3A_115 = arith.constant 0 : i32
    %scan3A_116 = arith.constant 64 : i32
    %scan3A_117 = arith.addi %scan3A_115, %scan3A_116 : i32
    %scan3A_118 = arith.constant 1 : i32
    scf.for %scan3A_192 = %scan3A_115 to %scan3A_117 step %scan3A_118  : i32 {
      %mul3A_193 = arith.constant 16 : i32
      %mul3A_194 = arith.muli %scan3A_192, %mul3A_193 : i32
      %get3A = arith.constant 19 : i32
      %get3A_195 = arith.index_cast %get3A : i32 to index
      %get3A_196 = arith.index_cast %mul3A_194 : i32 to index
      %get3A_197 = tpu.vector_load %arg7[%get3A_195, %get3A_196] {strides = array<i32>} : memref<32x1024xi32, #tpu.memory_space<vmem>>, vector<16xi32>,
      %gather3A = tpu.vector_load_idx %arg6[%get3A_197] : memref<8192xf32, #tpu.memory_space<vmem>>[vector<16xi32>], vector<16xf32>,
      %get3A_198 = arith.constant 19 : i32
      %get3A_199 = arith.index_cast %get3A_198 : i32 to index
      %get3A_200 = arith.index_cast %mul3A_194 : i32 to index
      %get3A_201 = tpu.vector_load %arg8[%get3A_199, %get3A_200] {strides = array<i32>} : memref<32x1024xf32, #tpu.memory_space<vmem>>, vector<16xf32>,
      %sub3A = arith.subf %gather3A, %get3A_201 : vector<16xf32>
      %add3A_202 = arith.addf %get3A_201, %sub3A : vector<16xf32>
      %swap3A = arith.constant 19 : i32
      %swap3A_203 = arith.index_cast %swap3A : i32 to index
      %swap3A_204 = arith.index_cast %mul3A_194 : i32 to index
      %swap3A_205 = tpu.vector_load %arg9[%swap3A_203, %swap3A_204] {strides = array<i32>} : memref<32x1024xf32, #tpu.memory_space<vmem>>, vector<16xf32>,
      tpu.vector_store %arg9[%swap3A_203, %swap3A_204], %add3A_202 {strides = array<i32>} : memref<32x1024xf32, #tpu.memory_space<vmem>>, vector<16xf32>,
    }
    %scan3A_119 = arith.constant 64 : i32
    %scan3A_120 = arith.constant 0 : i32
    %scan3A_121 = arith.constant 0 : i32
    %scan3A_122 = arith.constant 64 : i32
    %scan3A_123 = arith.addi %scan3A_121, %scan3A_122 : i32
    %scan3A_124 = arith.constant 1 : i32
    scf.for %scan3A_192 = %scan3A_121 to %scan3A_123 step %scan3A_124  : i32 {
      %mul3A_193 = arith.constant 16 : i32
      %mul3A_194 = arith.muli %scan3A_192, %mul3A_193 : i32
      %get3A = arith.constant 20 : i32
      %get3A_195 = arith.index_cast %get3A : i32 to index
      %get3A_196 = arith.index_cast %mul3A_194 : i32 to index
      %get3A_197 = tpu.vector_load %arg7[%get3A_195, %get3A_196] {strides = array<i32>} : memref<32x1024xi32, #tpu.memory_space<vmem>>, vector<16xi32>,
      %gather3A = tpu.vector_load_idx %arg6[%get3A_197] : memref<8192xf32, #tpu.memory_space<vmem>>[vector<16xi32>], vector<16xf32>,
      %get3A_198 = arith.constant 20 : i32
      %get3A_199 = arith.index_cast %get3A_198 : i32 to index
      %get3A_200 = arith.index_cast %mul3A_194 : i32 to index
      %get3A_201 = tpu.vector_load %arg8[%get3A_199, %get3A_200] {strides = array<i32>} : memref<32x1024xf32, #tpu.memory_space<vmem>>, vector<16xf32>,
      %sub3A = arith.subf %gather3A, %get3A_201 : vector<16xf32>
      %add3A_202 = arith.addf %get3A_201, %sub3A : vector<16xf32>
      %swap3A = arith.constant 20 : i32
      %swap3A_203 = arith.index_cast %swap3A : i32 to index
      %swap3A_204 = arith.index_cast %mul3A_194 : i32 to index
      %swap3A_205 = tpu.vector_load %arg9[%swap3A_203, %swap3A_204] {strides = array<i32>} : memref<32x1024xf32, #tpu.memory_space<vmem>>, vector<16xf32>,
      tpu.vector_store %arg9[%swap3A_203, %swap3A_204], %add3A_202 {strides = array<i32>} : memref<32x1024xf32, #tpu.memory_space<vmem>>, vector<16xf32>,
    }
    %scan3A_125 = arith.constant 64 : i32
    %scan3A_126 = arith.constant 0 : i32
    %scan3A_127 = arith.constant 0 : i32
    %scan3A_128 = arith.constant 64 : i32
    %scan3A_129 = arith.addi %scan3A_127, %scan3A_128 : i32
    %scan3A_130 = arith.constant 1 : i32
    scf.for %scan3A_192 = %scan3A_127 to %scan3A_129 step %scan3A_130  : i32 {
      %mul3A_193 = arith.constant 16 : i32
      %mul3A_194 = arith.muli %scan3A_192, %mul3A_193 : i32
      %get3A = arith.constant 21 : i32
      %get3A_195 = arith.index_cast %get3A : i32 to index
      %get3A_196 = arith.index_cast %mul3A_194 : i32 to index
      %get3A_197 = tpu.vector_load %arg7[%get3A_195, %get3A_196] {strides = array<i32>} : memref<32x1024xi32, #tpu.memory_space<vmem>>, vector<16xi32>,
      %gather3A = tpu.vector_load_idx %arg6[%get3A_197] : memref<8192xf32, #tpu.memory_space<vmem>>[vector<16xi32>], vector<16xf32>,
      %get3A_198 = arith.constant 21 : i32
      %get3A_199 = arith.index_cast %get3A_198 : i32 to index
      %get3A_200 = arith.index_cast %mul3A_194 : i32 to index
      %get3A_201 = tpu.vector_load %arg8[%get3A_199, %get3A_200] {strides = array<i32>} : memref<32x1024xf32, #tpu.memory_space<vmem>>, vector<16xf32>,
      %sub3A = arith.subf %gather3A, %get3A_201 : vector<16xf32>
      %add3A_202 = arith.addf %get3A_201, %sub3A : vector<16xf32>
      %swap3A = arith.constant 21 : i32
      %swap3A_203 = arith.index_cast %swap3A : i32 to index
      %swap3A_204 = arith.index_cast %mul3A_194 : i32 to index
      %swap3A_205 = tpu.vector_load %arg9[%swap3A_203, %swap3A_204] {strides = array<i32>} : memref<32x1024xf32, #tpu.memory_space<vmem>>, vector<16xf32>,
      tpu.vector_store %arg9[%swap3A_203, %swap3A_204], %add3A_202 {strides = array<i32>} : memref<32x1024xf32, #tpu.memory_space<vmem>>, vector<16xf32>,
    }
    %scan3A_131 = arith.constant 64 : i32
    %scan3A_132 = arith.constant 0 : i32
    %scan3A_133 = arith.constant 0 : i32
    %scan3A_134 = arith.constant 64 : i32
    %scan3A_135 = arith.addi %scan3A_133, %scan3A_134 : i32
    %scan3A_136 = arith.constant 1 : i32
    scf.for %scan3A_192 = %scan3A_133 to %scan3A_135 step %scan3A_136  : i32 {
      %mul3A_193 = arith.constant 16 : i32
      %mul3A_194 = arith.muli %scan3A_192, %mul3A_193 : i32
      %get3A = arith.constant 22 : i32
      %get3A_195 = arith.index_cast %get3A : i32 to index
      %get3A_196 = arith.index_cast %mul3A_194 : i32 to index
      %get3A_197 = tpu.vector_load %arg7[%get3A_195, %get3A_196] {strides = array<i32>} : memref<32x1024xi32, #tpu.memory_space<vmem>>, vector<16xi32>,
      %gather3A = tpu.vector_load_idx %arg6[%get3A_197] : memref<8192xf32, #tpu.memory_space<vmem>>[vector<16xi32>], vector<16xf32>,
      %get3A_198 = arith.constant 22 : i32
      %get3A_199 = arith.index_cast %get3A_198 : i32 to index
      %get3A_200 = arith.index_cast %mul3A_194 : i32 to index
      %get3A_201 = tpu.vector_load %arg8[%get3A_199, %get3A_200] {strides = array<i32>} : memref<32x1024xf32, #tpu.memory_space<vmem>>, vector<16xf32>,
      %sub3A = arith.subf %gather3A, %get3A_201 : vector<16xf32>
      %add3A_202 = arith.addf %get3A_201, %sub3A : vector<16xf32>
      %swap3A = arith.constant 22 : i32
      %swap3A_203 = arith.index_cast %swap3A : i32 to index
      %swap3A_204 = arith.index_cast %mul3A_194 : i32 to index
      %swap3A_205 = tpu.vector_load %arg9[%swap3A_203, %swap3A_204] {strides = array<i32>} : memref<32x1024xf32, #tpu.memory_space<vmem>>, vector<16xf32>,
      tpu.vector_store %arg9[%swap3A_203, %swap3A_204], %add3A_202 {strides = array<i32>} : memref<32x1024xf32, #tpu.memory_space<vmem>>, vector<16xf32>,
    }
    %scan3A_137 = arith.constant 64 : i32
    %scan3A_138 = arith.constant 0 : i32
    %scan3A_139 = arith.constant 0 : i32
    %scan3A_140 = arith.constant 64 : i32
    %scan3A_141 = arith.addi %scan3A_139, %scan3A_140 : i32
    %scan3A_142 = arith.constant 1 : i32
    scf.for %scan3A_192 = %scan3A_139 to %scan3A_141 step %scan3A_142  : i32 {
      %mul3A_193 = arith.constant 16 : i32
      %mul3A_194 = arith.muli %scan3A_192, %mul3A_193 : i32
      %get3A = arith.constant 23 : i32
      %get3A_195 = arith.index_cast %get3A : i32 to index
      %get3A_196 = arith.index_cast %mul3A_194 : i32 to index
      %get3A_197 = tpu.vector_load %arg7[%get3A_195, %get3A_196] {strides = array<i32>} : memref<32x1024xi32, #tpu.memory_space<vmem>>, vector<16xi32>,
      %gather3A = tpu.vector_load_idx %arg6[%get3A_197] : memref<8192xf32, #tpu.memory_space<vmem>>[vector<16xi32>], vector<16xf32>,
      %get3A_198 = arith.constant 23 : i32
      %get3A_199 = arith.index_cast %get3A_198 : i32 to index
      %get3A_200 = arith.index_cast %mul3A_194 : i32 to index
      %get3A_201 = tpu.vector_load %arg8[%get3A_199, %get3A_200] {strides = array<i32>} : memref<32x1024xf32, #tpu.memory_space<vmem>>, vector<16xf32>,
      %sub3A = arith.subf %gather3A, %get3A_201 : vector<16xf32>
      %add3A_202 = arith.addf %get3A_201, %sub3A : vector<16xf32>
      %swap3A = arith.constant 23 : i32
      %swap3A_203 = arith.index_cast %swap3A : i32 to index
      %swap3A_204 = arith.index_cast %mul3A_194 : i32 to index
      %swap3A_205 = tpu.vector_load %arg9[%swap3A_203, %swap3A_204] {strides = array<i32>} : memref<32x1024xf32, #tpu.memory_space<vmem>>, vector<16xf32>,
      tpu.vector_store %arg9[%swap3A_203, %swap3A_204], %add3A_202 {strides = array<i32>} : memref<32x1024xf32, #tpu.memory_space<vmem>>, vector<16xf32>,
    }
    %scan3A_143 = arith.constant 64 : i32
    %scan3A_144 = arith.constant 0 : i32
    %scan3A_145 = arith.constant 0 : i32
    %scan3A_146 = arith.constant 64 : i32
    %scan3A_147 = arith.addi %scan3A_145, %scan3A_146 : i32
    %scan3A_148 = arith.constant 1 : i32
    scf.for %scan3A_192 = %scan3A_145 to %scan3A_147 step %scan3A_148  : i32 {
      %mul3A_193 = arith.constant 16 : i32
      %mul3A_194 = arith.muli %scan3A_192, %mul3A_193 : i32
      %get3A = arith.constant 24 : i32
      %get3A_195 = arith.index_cast %get3A : i32 to index
      %get3A_196 = arith.index_cast %mul3A_194 : i32 to index
      %get3A_197 = tpu.vector_load %arg7[%get3A_195, %get3A_196] {strides = array<i32>} : memref<32x1024xi32, #tpu.memory_space<vmem>>, vector<16xi32>,
      %gather3A = tpu.vector_load_idx %arg6[%get3A_197] : memref<8192xf32, #tpu.memory_space<vmem>>[vector<16xi32>], vector<16xf32>,
      %get3A_198 = arith.constant 24 : i32
      %get3A_199 = arith.index_cast %get3A_198 : i32 to index
      %get3A_200 = arith.index_cast %mul3A_194 : i32 to index
      %get3A_201 = tpu.vector_load %arg8[%get3A_199, %get3A_200] {strides = array<i32>} : memref<32x1024xf32, #tpu.memory_space<vmem>>, vector<16xf32>,
      %sub3A = arith.subf %gather3A, %get3A_201 : vector<16xf32>
      %add3A_202 = arith.addf %get3A_201, %sub3A : vector<16xf32>
      %swap3A = arith.constant 24 : i32
      %swap3A_203 = arith.index_cast %swap3A : i32 to index
      %swap3A_204 = arith.index_cast %mul3A_194 : i32 to index
      %swap3A_205 = tpu.vector_load %arg9[%swap3A_203, %swap3A_204] {strides = array<i32>} : memref<32x1024xf32, #tpu.memory_space<vmem>>, vector<16xf32>,
      tpu.vector_store %arg9[%swap3A_203, %swap3A_204], %add3A_202 {strides = array<i32>} : memref<32x1024xf32, #tpu.memory_space<vmem>>, vector<16xf32>,
    }
    %scan3A_149 = arith.constant 64 : i32
    %scan3A_150 = arith.constant 0 : i32
    %scan3A_151 = arith.constant 0 : i32
    %scan3A_152 = arith.constant 64 : i32
    %scan3A_153 = arith.addi %scan3A_151, %scan3A_152 : i32
    %scan3A_154 = arith.constant 1 : i32
    scf.for %scan3A_192 = %scan3A_151 to %scan3A_153 step %scan3A_154  : i32 {
      %mul3A_193 = arith.constant 16 : i32
      %mul3A_194 = arith.muli %scan3A_192, %mul3A_193 : i32
      %get3A = arith.constant 25 : i32
      %get3A_195 = arith.index_cast %get3A : i32 to index
      %get3A_196 = arith.index_cast %mul3A_194 : i32 to index
      %get3A_197 = tpu.vector_load %arg7[%get3A_195, %get3A_196] {strides = array<i32>} : memref<32x1024xi32, #tpu.memory_space<vmem>>, vector<16xi32>,
      %gather3A = tpu.vector_load_idx %arg6[%get3A_197] : memref<8192xf32, #tpu.memory_space<vmem>>[vector<16xi32>], vector<16xf32>,
      %get3A_198 = arith.constant 25 : i32
      %get3A_199 = arith.index_cast %get3A_198 : i32 to index
      %get3A_200 = arith.index_cast %mul3A_194 : i32 to index
      %get3A_201 = tpu.vector_load %arg8[%get3A_199, %get3A_200] {strides = array<i32>} : memref<32x1024xf32, #tpu.memory_space<vmem>>, vector<16xf32>,
      %sub3A = arith.subf %gather3A, %get3A_201 : vector<16xf32>
      %add3A_202 = arith.addf %get3A_201, %sub3A : vector<16xf32>
      %swap3A = arith.constant 25 : i32
      %swap3A_203 = arith.index_cast %swap3A : i32 to index
      %swap3A_204 = arith.index_cast %mul3A_194 : i32 to index
      %swap3A_205 = tpu.vector_load %arg9[%swap3A_203, %swap3A_204] {strides = array<i32>} : memref<32x1024xf32, #tpu.memory_space<vmem>>, vector<16xf32>,
      tpu.vector_store %arg9[%swap3A_203, %swap3A_204], %add3A_202 {strides = array<i32>} : memref<32x1024xf32, #tpu.memory_space<vmem>>, vector<16xf32>,
    }
    %scan3A_155 = arith.constant 64 : i32
    %scan3A_156 = arith.constant 0 : i32
    %scan3A_157 = arith.constant 0 : i32
    %scan3A_158 = arith.constant 64 : i32
    %scan3A_159 = arith.addi %scan3A_157, %scan3A_158 : i32
    %scan3A_160 = arith.constant 1 : i32
    scf.for %scan3A_192 = %scan3A_157 to %scan3A_159 step %scan3A_160  : i32 {
      %mul3A_193 = arith.constant 16 : i32
      %mul3A_194 = arith.muli %scan3A_192, %mul3A_193 : i32
      %get3A = arith.constant 26 : i32
      %get3A_195 = arith.index_cast %get3A : i32 to index
      %get3A_196 = arith.index_cast %mul3A_194 : i32 to index
      %get3A_197 = tpu.vector_load %arg7[%get3A_195, %get3A_196] {strides = array<i32>} : memref<32x1024xi32, #tpu.memory_space<vmem>>, vector<16xi32>,
      %gather3A = tpu.vector_load_idx %arg6[%get3A_197] : memref<8192xf32, #tpu.memory_space<vmem>>[vector<16xi32>], vector<16xf32>,
      %get3A_198 = arith.constant 26 : i32
      %get3A_199 = arith.index_cast %get3A_198 : i32 to index
      %get3A_200 = arith.index_cast %mul3A_194 : i32 to index
      %get3A_201 = tpu.vector_load %arg8[%get3A_199, %get3A_200] {strides = array<i32>} : memref<32x1024xf32, #tpu.memory_space<vmem>>, vector<16xf32>,
      %sub3A = arith.subf %gather3A, %get3A_201 : vector<16xf32>
      %add3A_202 = arith.addf %get3A_201, %sub3A : vector<16xf32>
      %swap3A = arith.constant 26 : i32
      %swap3A_203 = arith.index_cast %swap3A : i32 to index
      %swap3A_204 = arith.index_cast %mul3A_194 : i32 to index
      %swap3A_205 = tpu.vector_load %arg9[%swap3A_203, %swap3A_204] {strides = array<i32>} : memref<32x1024xf32, #tpu.memory_space<vmem>>, vector<16xf32>,
      tpu.vector_store %arg9[%swap3A_203, %swap3A_204], %add3A_202 {strides = array<i32>} : memref<32x1024xf32, #tpu.memory_space<vmem>>, vector<16xf32>,
    }
    %scan3A_161 = arith.constant 64 : i32
    %scan3A_162 = arith.constant 0 : i32
    %scan3A_163 = arith.constant 0 : i32
    %scan3A_164 = arith.constant 64 : i32
    %scan3A_165 = arith.addi %scan3A_163, %scan3A_164 : i32
    %scan3A_166 = arith.constant 1 : i32
    scf.for %scan3A_192 = %scan3A_163 to %scan3A_165 step %scan3A_166  : i32 {
      %mul3A_193 = arith.constant 16 : i32
      %mul3A_194 = arith.muli %scan3A_192, %mul3A_193 : i32
      %get3A = arith.constant 27 : i32
      %get3A_195 = arith.index_cast %get3A : i32 to index
      %get3A_196 = arith.index_cast %mul3A_194 : i32 to index
      %get3A_197 = tpu.vector_load %arg7[%get3A_195, %get3A_196] {strides = array<i32>} : memref<32x1024xi32, #tpu.memory_space<vmem>>, vector<16xi32>,
      %gather3A = tpu.vector_load_idx %arg6[%get3A_197] : memref<8192xf32, #tpu.memory_space<vmem>>[vector<16xi32>], vector<16xf32>,
      %get3A_198 = arith.constant 27 : i32
      %get3A_199 = arith.index_cast %get3A_198 : i32 to index
      %get3A_200 = arith.index_cast %mul3A_194 : i32 to index
      %get3A_201 = tpu.vector_load %arg8[%get3A_199, %get3A_200] {strides = array<i32>} : memref<32x1024xf32, #tpu.memory_space<vmem>>, vector<16xf32>,
      %sub3A = arith.subf %gather3A, %get3A_201 : vector<16xf32>
      %add3A_202 = arith.addf %get3A_201, %sub3A : vector<16xf32>
      %swap3A = arith.constant 27 : i32
      %swap3A_203 = arith.index_cast %swap3A : i32 to index
      %swap3A_204 = arith.index_cast %mul3A_194 : i32 to index
      %swap3A_205 = tpu.vector_load %arg9[%swap3A_203, %swap3A_204] {strides = array<i32>} : memref<32x1024xf32, #tpu.memory_space<vmem>>, vector<16xf32>,
      tpu.vector_store %arg9[%swap3A_203, %swap3A_204], %add3A_202 {strides = array<i32>} : memref<32x1024xf32, #tpu.memory_space<vmem>>, vector<16xf32>,
    }
    %scan3A_167 = arith.constant 64 : i32
    %scan3A_168 = arith.constant 0 : i32
    %scan3A_169 = arith.constant 0 : i32
    %scan3A_170 = arith.constant 64 : i32
    %scan3A_171 = arith.addi %scan3A_169, %scan3A_170 : i32
    %scan3A_172 = arith.constant 1 : i32
    scf.for %scan3A_192 = %scan3A_169 to %scan3A_171 step %scan3A_172  : i32 {
      %mul3A_193 = arith.constant 16 : i32
      %mul3A_194 = arith.muli %scan3A_192, %mul3A_193 : i32
      %get3A = arith.constant 28 : i32
      %get3A_195 = arith.index_cast %get3A : i32 to index
      %get3A_196 = arith.index_cast %mul3A_194 : i32 to index
      %get3A_197 = tpu.vector_load %arg7[%get3A_195, %get3A_196] {strides = array<i32>} : memref<32x1024xi32, #tpu.memory_space<vmem>>, vector<16xi32>,
      %gather3A = tpu.vector_load_idx %arg6[%get3A_197] : memref<8192xf32, #tpu.memory_space<vmem>>[vector<16xi32>], vector<16xf32>,
      %get3A_198 = arith.constant 28 : i32
      %get3A_199 = arith.index_cast %get3A_198 : i32 to index
      %get3A_200 = arith.index_cast %mul3A_194 : i32 to index
      %get3A_201 = tpu.vector_load %arg8[%get3A_199, %get3A_200] {strides = array<i32>} : memref<32x1024xf32, #tpu.memory_space<vmem>>, vector<16xf32>,
      %sub3A = arith.subf %gather3A, %get3A_201 : vector<16xf32>
      %add3A_202 = arith.addf %get3A_201, %sub3A : vector<16xf32>
      %swap3A = arith.constant 28 : i32
      %swap3A_203 = arith.index_cast %swap3A : i32 to index
      %swap3A_204 = arith.index_cast %mul3A_194 : i32 to index
      %swap3A_205 = tpu.vector_load %arg9[%swap3A_203, %swap3A_204] {strides = array<i32>} : memref<32x1024xf32, #tpu.memory_space<vmem>>, vector<16xf32>,
      tpu.vector_store %arg9[%swap3A_203, %swap3A_204], %add3A_202 {strides = array<i32>} : memref<32x1024xf32, #tpu.memory_space<vmem>>, vector<16xf32>,
    }
    %scan3A_173 = arith.constant 64 : i32
    %scan3A_174 = arith.constant 0 : i32
    %scan3A_175 = arith.constant 0 : i32
    %scan3A_176 = arith.constant 64 : i32
    %scan3A_177 = arith.addi %scan3A_175, %scan3A_176 : i32
    %scan3A_178 = arith.constant 1 : i32
    scf.for %scan3A_192 = %scan3A_175 to %scan3A_177 step %scan3A_178  : i32 {
      %mul3A_193 = arith.constant 16 : i32
      %mul3A_194 = arith.muli %scan3A_192, %mul3A_193 : i32
      %get3A = arith.constant 29 : i32
      %get3A_195 = arith.index_cast %get3A : i32 to index
      %get3A_196 = arith.index_cast %mul3A_194 : i32 to index
      %get3A_197 = tpu.vector_load %arg7[%get3A_195, %get3A_196] {strides = array<i32>} : memref<32x1024xi32, #tpu.memory_space<vmem>>, vector<16xi32>,
      %gather3A = tpu.vector_load_idx %arg6[%get3A_197] : memref<8192xf32, #tpu.memory_space<vmem>>[vector<16xi32>], vector<16xf32>,
      %get3A_198 = arith.constant 29 : i32
      %get3A_199 = arith.index_cast %get3A_198 : i32 to index
      %get3A_200 = arith.index_cast %mul3A_194 : i32 to index
      %get3A_201 = tpu.vector_load %arg8[%get3A_199, %get3A_200] {strides = array<i32>} : memref<32x1024xf32, #tpu.memory_space<vmem>>, vector<16xf32>,
      %sub3A = arith.subf %gather3A, %get3A_201 : vector<16xf32>
      %add3A_202 = arith.addf %get3A_201, %sub3A : vector<16xf32>
      %swap3A = arith.constant 29 : i32
      %swap3A_203 = arith.index_cast %swap3A : i32 to index
      %swap3A_204 = arith.index_cast %mul3A_194 : i32 to index
      %swap3A_205 = tpu.vector_load %arg9[%swap3A_203, %swap3A_204] {strides = array<i32>} : memref<32x1024xf32, #tpu.memory_space<vmem>>, vector<16xf32>,
      tpu.vector_store %arg9[%swap3A_203, %swap3A_204], %add3A_202 {strides = array<i32>} : memref<32x1024xf32, #tpu.memory_space<vmem>>, vector<16xf32>,
    }
    %scan3A_179 = arith.constant 64 : i32
    %scan3A_180 = arith.constant 0 : i32
    %scan3A_181 = arith.constant 0 : i32
    %scan3A_182 = arith.constant 64 : i32
    %scan3A_183 = arith.addi %scan3A_181, %scan3A_182 : i32
    %scan3A_184 = arith.constant 1 : i32
    scf.for %scan3A_192 = %scan3A_181 to %scan3A_183 step %scan3A_184  : i32 {
      %mul3A_193 = arith.constant 16 : i32
      %mul3A_194 = arith.muli %scan3A_192, %mul3A_193 : i32
      %get3A = arith.constant 30 : i32
      %get3A_195 = arith.index_cast %get3A : i32 to index
      %get3A_196 = arith.index_cast %mul3A_194 : i32 to index
      %get3A_197 = tpu.vector_load %arg7[%get3A_195, %get3A_196] {strides = array<i32>} : memref<32x1024xi32, #tpu.memory_space<vmem>>, vector<16xi32>,
      %gather3A = tpu.vector_load_idx %arg6[%get3A_197] : memref<8192xf32, #tpu.memory_space<vmem>>[vector<16xi32>], vector<16xf32>,
      %get3A_198 = arith.constant 30 : i32
      %get3A_199 = arith.index_cast %get3A_198 : i32 to index
      %get3A_200 = arith.index_cast %mul3A_194 : i32 to index
      %get3A_201 = tpu.vector_load %arg8[%get3A_199, %get3A_200] {strides = array<i32>} : memref<32x1024xf32, #tpu.memory_space<vmem>>, vector<16xf32>,
      %sub3A = arith.subf %gather3A, %get3A_201 : vector<16xf32>
      %add3A_202 = arith.addf %get3A_201, %sub3A : vector<16xf32>
      %swap3A = arith.constant 30 : i32
      %swap3A_203 = arith.index_cast %swap3A : i32 to index
      %swap3A_204 = arith.index_cast %mul3A_194 : i32 to index
      %swap3A_205 = tpu.vector_load %arg9[%swap3A_203, %swap3A_204] {strides = array<i32>} : memref<32x1024xf32, #tpu.memory_space<vmem>>, vector<16xf32>,
      tpu.vector_store %arg9[%swap3A_203, %swap3A_204], %add3A_202 {strides = array<i32>} : memref<32x1024xf32, #tpu.memory_space<vmem>>, vector<16xf32>,
    }
    %scan3A_185 = arith.constant 64 : i32
    %scan3A_186 = arith.constant 0 : i32
    %scan3A_187 = arith.constant 0 : i32
    %scan3A_188 = arith.constant 64 : i32
    %scan3A_189 = arith.addi %scan3A_187, %scan3A_188 : i32
    %scan3A_190 = arith.constant 1 : i32
    scf.for %scan3A_192 = %scan3A_187 to %scan3A_189 step %scan3A_190  : i32 {
      %mul3A_193 = arith.constant 16 : i32
      %mul3A_194 = arith.muli %scan3A_192, %mul3A_193 : i32
      %get3A = arith.constant 31 : i32
      %get3A_195 = arith.index_cast %get3A : i32 to index
      %get3A_196 = arith.index_cast %mul3A_194 : i32 to index
      %get3A_197 = tpu.vector_load %arg7[%get3A_195, %get3A_196] {strides = array<i32>} : memref<32x1024xi32, #tpu.memory_space<vmem>>, vector<16xi32>,
      %gather3A = tpu.vector_load_idx %arg6[%get3A_197] : memref<8192xf32, #tpu.memory_space<vmem>>[vector<16xi32>], vector<16xf32>,
      %get3A_198 = arith.constant 31 : i32
      %get3A_199 = arith.index_cast %get3A_198 : i32 to index
      %get3A_200 = arith.index_cast %mul3A_194 : i32 to index
      %get3A_201 = tpu.vector_load %arg8[%get3A_199, %get3A_200] {strides = array<i32>} : memref<32x1024xf32, #tpu.memory_space<vmem>>, vector<16xf32>,
      %sub3A = arith.subf %gather3A, %get3A_201 : vector<16xf32>
      %add3A_202 = arith.addf %get3A_201, %sub3A : vector<16xf32>
      %swap3A = arith.constant 31 : i32
      %swap3A_203 = arith.index_cast %swap3A : i32 to index
      %swap3A_204 = arith.index_cast %mul3A_194 : i32 to index
      %swap3A_205 = tpu.vector_load %arg9[%swap3A_203, %swap3A_204] {strides = array<i32>} : memref<32x1024xf32, #tpu.memory_space<vmem>>, vector<16xf32>,
      tpu.vector_store %arg9[%swap3A_203, %swap3A_204], %add3A_202 {strides = array<i32>} : memref<32x1024xf32, #tpu.memory_space<vmem>>, vector<16xf32>,
    }
    %scan3A_191 = arith.constant 64 : i32
    "tpu.region"() ({
      %run_scoped3A = tpu.sem_alloc : memref<!tpu.dma_semaphore, #tpu.memory_space<semaphore_mem>>
      %dma_start3A = arith.constant 0 : i32
      %dma_start3A_192 = arith.constant 0 : i32
      %dma_start3A_193 = tpu.memref_slice %arg5[%dma_start3A, %add3A, %dma_start3A_192] : memref<32x32x1024xf32, #tpu.memory_space<hbm>> -> memref<32x1x1024xf32, #tpu.memory_space<hbm>>
      %dma_start3A_194 = tpu.memref_squeeze %dma_start3A_193 : memref<32x1x1024xf32, #tpu.memory_space<hbm>> -> memref<32x1024xf32, #tpu.memory_space<hbm>>
      %dma_start3A_195 = arith.constant 0 : i32
      %dma_start3A_196 = arith.constant 0 : i32
      %dma_start3A_197 = tpu.memref_slice %arg5[%dma_start3A_195, %add3A, %dma_start3A_196] : memref<32x32x1024xf32, #tpu.memory_space<hbm>> -> memref<32x1x1024xf32, #tpu.memory_space<hbm>>
      %dma_start3A_198 = tpu.memref_squeeze %dma_start3A_197 : memref<32x1x1024xf32, #tpu.memory_space<hbm>> -> memref<32x1024xf32, #tpu.memory_space<hbm>>
      tpu.enqueue_dma source(%arg9 : memref<32x1024xf32, #tpu.memory_space<vmem>>) target(%dma_start3A_198 : memref<32x1024xf32, #tpu.memory_space<hbm>>) target_semaphore(%run_scoped3A : memref<!tpu.dma_semaphore, #tpu.memory_space<semaphore_mem>>)
      %dma_wait3A = arith.constant 0 : i32
      %dma_wait3A_199 = arith.constant 0 : i32
      %dma_wait3A_200 = tpu.memref_slice %arg5[%dma_wait3A, %add3A, %dma_wait3A_199] : memref<32x32x1024xf32, #tpu.memory_space<hbm>> -> memref<32x1x1024xf32, #tpu.memory_space<hbm>>
      %dma_wait3A_201 = tpu.memref_squeeze %dma_wait3A_200 : memref<32x1x1024xf32, #tpu.memory_space<hbm>> -> memref<32x1024xf32, #tpu.memory_space<hbm>>
      %dma_wait3A_202 = arith.constant 0 : i32
      %dma_wait3A_203 = arith.constant 0 : i32
      %dma_wait3A_204 = tpu.memref_slice %arg5[%dma_wait3A_202, %add3A, %dma_wait3A_203] : memref<32x32x1024xf32, #tpu.memory_space<hbm>> -> memref<32x1x1024xf32, #tpu.memory_space<hbm>>
      %dma_wait3A_205 = tpu.memref_squeeze %dma_wait3A_204 : memref<32x1x1024xf32, #tpu.memory_space<hbm>> -> memref<32x1024xf32, #tpu.memory_space<hbm>>
      tpu.wait_dma2 semaphore(%run_scoped3A : memref<!tpu.dma_semaphore, #tpu.memory_space<semaphore_mem>>) src(%arg9 : memref<32x1024xf32, #tpu.memory_space<vmem>>) dst(%dma_wait3A_205 : memref<32x1024xf32, #tpu.memory_space<hbm>>)
      tpu.yield
    }) : () -> ()
    return
  }
}

module attributes {stable_mosaic.version = 14 : i64} {
  func.func @_argmin_body(%arg0: i32, %arg1: memref<256x32xf32, #tpu.memory_space<vmem>>, %arg2: memref<8192x32xf32, #tpu.memory_space<vmem>>, %arg3: memref<1x8192xf32, #tpu.memory_space<vmem>>, %arg4: memref<256x1xf32, #tpu.memory_space<vmem>>, %arg5: memref<1x1x256xi32, #tpu.memory_space<vmem>>, %arg6: memref<1x1xf32, #tpu.memory_space<smem>>) attributes {dimension_semantics = [#tpu.dimension_semantics<arbitrary>], iteration_bounds = array<i64: 128>, scalar_prefetch = 0 : i64, scratch_operands = 0 : i64, tpu.core_type = #tpu.core_type<tc>, window_params = [{transform_indices = @transform_0, window_bounds = array<i64: 256, 32>}, {pipeline_mode = #tpu.pipeline_mode<synchronous>, transform_indices = @transform_1, window_bounds = array<i64: 8192, 32>}, {pipeline_mode = #tpu.pipeline_mode<synchronous>, transform_indices = @transform_2, window_bounds = array<i64: 1, 8192>}, {transform_indices = @transform_3, window_bounds = array<i64: 256, 1>}, {transform_indices = @transform_4, window_bounds = array<i64: 1, 1, 256>}, {transform_indices = @transform_5, window_bounds = array<i64: 1, 1>}]} {
    %get3A = arith.constant 0 : index
    %get3A_0 = arith.constant 0 : index
    %get3A_1 = vector.load %arg1[%get3A, %get3A_0] : memref<256x32xf32, #tpu.memory_space<vmem>>, vector<256x32xf32>
    %get3A_2 = arith.constant 0 : index
    %get3A_3 = arith.constant 0 : index
    %get3A_4 = vector.load %arg2[%get3A_2, %get3A_3] : memref<8192x32xf32, #tpu.memory_space<vmem>>, vector<8192x32xf32>
    %dot_general3A = arith.constant dense<0.000000e+00> : vector<256x8192xf32>
    %dot_general3A_5 = tpu.matmul %get3A_1, %get3A_4, %dot_general3A {dimension_numbers = #tpu.dot_dimension_numbers<[1], [1], [0], [0], [0, 0, 1, 0], [], []>, transpose_lhs_hint = false} : vector<256x32xf32>, vector<8192x32xf32>, vector<256x8192xf32> -> vector<256x8192xf32>
    %get3A_6 = arith.constant 0 : index
    %get3A_7 = arith.constant 0 : index
    %get3A_8 = vector.load %arg4[%get3A_6, %get3A_7] : memref<256x1xf32, #tpu.memory_space<vmem>>, vector<256x1xf32>
    %get3A_9 = arith.constant 0 : index
    %get3A_10 = arith.constant 0 : index
    %get3A_11 = vector.load %arg3[%get3A_9, %get3A_10] : memref<1x8192xf32, #tpu.memory_space<vmem>>, vector<1x8192xf32>
    %add3A = vector.broadcast %get3A_8 : vector<256x1xf32> to vector<256x8192xf32>
    %add3A_12 = vector.broadcast %get3A_11 : vector<1x8192xf32> to vector<256x8192xf32>
    %add3A_13 = arith.addf %add3A, %add3A_12 : vector<256x8192xf32>
    %mul3A = arith.constant 2.000000e+00 : f32
    %mul3A_14 = vector.broadcast %mul3A : f32 to vector<256x8192xf32>
    %mul3A_15 = arith.mulf %mul3A_14, %dot_general3A_5 : vector<256x8192xf32>
    %sub3A = arith.subf %add3A_13, %mul3A_15 : vector<256x8192xf32>
    %slice3A = vector.extract_strided_slice %sub3A {offsets = [0, 0], sizes = [256, 4096], strides = [1, 1]} : vector<256x8192xf32> to vector<256x4096xf32>
    %reduce_min3A = arith.constant dense<0x7F800000> : vector<256xf32>
    %reduce_min3A_16 = vector.multi_reduction <minimumf>, %slice3A, %reduce_min3A [1] : vector<256x4096xf32> to vector<256xf32>
    %broadcast_in_dim3A = vector.shape_cast %reduce_min3A_16 : vector<256xf32> to vector<256x1xf32>
    %iota3A = tpu.iota {dimensions = array<i32: 1>} : vector<256x4096xi32>
    %add3A_17 = arith.constant 805306368 : i32
    %add3A_18 = vector.broadcast %add3A_17 : i32 to vector<256x4096xi32>
    %add3A_19 = arith.addi %iota3A, %add3A_18 : vector<256x4096xi32>
    %eq3A = vector.broadcast %broadcast_in_dim3A : vector<256x1xf32> to vector<256x4096xf32>
    %eq3A_20 = arith.cmpf oeq, %slice3A, %eq3A : vector<256x4096xf32>
    %jit3A = arith.constant 805314560 : i32
    %broadcast_in_dim3A_21 = vector.broadcast %jit3A : i32 to vector<256x4096xi32>
    %select_n3A = arith.select %eq3A_20, %add3A_19, %broadcast_in_dim3A_21 : vector<256x4096xi1>, vector<256x4096xi32>
    %bitcast_convert_type3A = tpu.bitcast %select_n3A : vector<256x4096xi32> -> vector<256x4096xf32>
    %reduce_min3A_22 = arith.constant dense<0x7F800000> : vector<256xf32>
    %reduce_min3A_23 = vector.multi_reduction <minimumf>, %bitcast_convert_type3A, %reduce_min3A_22 [1] : vector<256x4096xf32> to vector<256xf32>
    %broadcast_in_dim3A_24 = vector.shape_cast %reduce_min3A_23 : vector<256xf32> to vector<256x1xf32>
    %bitcast_convert_type3A_25 = tpu.bitcast %broadcast_in_dim3A_24 : vector<256x1xf32> -> vector<256x1xi32>
    %sub3A_26 = arith.constant 805306368 : i32
    %sub3A_27 = vector.broadcast %sub3A_26 : i32 to vector<256x1xi32>
    %sub3A_28 = arith.subi %bitcast_convert_type3A_25, %sub3A_27 : vector<256x1xi32>
    %convert_element_type3A = arith.truncf %broadcast_in_dim3A : vector<256x1xf32> to vector<256x1xbf16>
    %convert_element_type3A_29 = arith.extf %convert_element_type3A : vector<256x1xbf16> to vector<256x1xf32>
    %slice3A_30 = vector.extract_strided_slice %sub3A {offsets = [0, 4096], sizes = [256, 4096], strides = [1, 1]} : vector<256x8192xf32> to vector<256x4096xf32>
    %reduce_min3A_31 = arith.constant dense<0x7F800000> : vector<256xf32>
    %reduce_min3A_32 = vector.multi_reduction <minimumf>, %slice3A_30, %reduce_min3A_31 [1] : vector<256x4096xf32> to vector<256xf32>
    %broadcast_in_dim3A_33 = vector.shape_cast %reduce_min3A_32 : vector<256xf32> to vector<256x1xf32>
    %iota3A_34 = tpu.iota {dimensions = array<i32: 1>} : vector<256x4096xi32>
    %add3A_35 = arith.constant 805310464 : i32
    %add3A_36 = vector.broadcast %add3A_35 : i32 to vector<256x4096xi32>
    %add3A_37 = arith.addi %iota3A_34, %add3A_36 : vector<256x4096xi32>
    %eq3A_38 = vector.broadcast %broadcast_in_dim3A_33 : vector<256x1xf32> to vector<256x4096xf32>
    %eq3A_39 = arith.cmpf oeq, %slice3A_30, %eq3A_38 : vector<256x4096xf32>
    %jit3A_40 = arith.constant 805314560 : i32
    %broadcast_in_dim3A_41 = vector.broadcast %jit3A_40 : i32 to vector<256x4096xi32>
    %select_n3A_42 = arith.select %eq3A_39, %add3A_37, %broadcast_in_dim3A_41 : vector<256x4096xi1>, vector<256x4096xi32>
    %bitcast_convert_type3A_43 = tpu.bitcast %select_n3A_42 : vector<256x4096xi32> -> vector<256x4096xf32>
    %reduce_min3A_44 = arith.constant dense<0x7F800000> : vector<256xf32>
    %reduce_min3A_45 = vector.multi_reduction <minimumf>, %bitcast_convert_type3A_43, %reduce_min3A_44 [1] : vector<256x4096xf32> to vector<256xf32>
    %broadcast_in_dim3A_46 = vector.shape_cast %reduce_min3A_45 : vector<256xf32> to vector<256x1xf32>
    %bitcast_convert_type3A_47 = tpu.bitcast %broadcast_in_dim3A_46 : vector<256x1xf32> -> vector<256x1xi32>
    %sub3A_48 = arith.constant 805306368 : i32
    %sub3A_49 = vector.broadcast %sub3A_48 : i32 to vector<256x1xi32>
    %sub3A_50 = arith.subi %bitcast_convert_type3A_47, %sub3A_49 : vector<256x1xi32>
    %lt3A = arith.cmpf olt, %broadcast_in_dim3A_33, %convert_element_type3A_29 : vector<256x1xf32>
    %select_n3A_51 = arith.select %lt3A, %sub3A_50, %sub3A_28 : vector<256x1xi1>, vector<256x1xi32>
    %select_n3A_52 = arith.select %lt3A, %broadcast_in_dim3A_33, %broadcast_in_dim3A : vector<256x1xi1>, vector<256x1xf32>
    %squeeze3A = vector.shape_cast %select_n3A_51 : vector<256x1xi32> to vector<256xi32>
    %swap3A = arith.constant 0 : index
    %swap3A_53 = arith.constant 0 : index
    %swap3A_54 = arith.constant 0 : index
    %swap3A_55 = vector.load %arg5[%swap3A, %swap3A_53, %swap3A_54] : memref<1x1x256xi32, #tpu.memory_space<vmem>>, vector<1x1x256xi32>
    %swap3A_56 = vector.shape_cast %swap3A_55 : vector<1x1x256xi32> to vector<256xi32>
    %swap3A_57 = vector.shape_cast %squeeze3A : vector<256xi32> to vector<1x1x256xi32>
    tpu.vector_store %arg5[%swap3A, %swap3A_53, %swap3A_54], %swap3A_57 {strides = array<i32>} : memref<1x1x256xi32, #tpu.memory_space<vmem>>, vector<1x1x256xi32>,
    %eq3A_58 = arith.constant 0 : i32
    %eq3A_59 = arith.cmpi eq, %arg0, %eq3A_58 : i32
    %convert_element_type3A_60 = arith.extui %eq3A_59 : i1 to i32
    %cond3A = arith.constant 0 : i32
    %cond3A_61 = arith.cmpi ne, %convert_element_type3A_60, %cond3A : i32
    scf.if %cond3A_61 {
      %swap3A_73 = arith.constant 0.000000e+00 : f32
      %swap3A_74 = arith.constant 0 : index
      %swap3A_75 = arith.constant 0 : index
      %swap3A_76 = memref.load %arg6[%swap3A_74, %swap3A_75] : memref<1x1xf32, #tpu.memory_space<smem>>
      memref.store %swap3A_73, %arg6[%swap3A_74, %swap3A_75] : memref<1x1xf32, #tpu.memory_space<smem>>
    } else {
    }
    %get3A_62 = arith.constant 0 : index
    %get3A_63 = arith.constant 0 : index
    %get3A_64 = memref.load %arg6[%get3A_62, %get3A_63] : memref<1x1xf32, #tpu.memory_space<smem>>
    %reduce_sum3A = vector.shape_cast %select_n3A_52 : vector<256x1xf32> to vector<1x256x1xf32>
    %reduce_sum3A_65 = arith.constant dense<0.000000e+00> : vector<1xf32>
    %reduce_sum3A_66 = vector.multi_reduction <add>, %reduce_sum3A, %reduce_sum3A_65 [1, 2] : vector<1x256x1xf32> to vector<1xf32>
    %reduce_sum3A_67 = vector.shape_cast %reduce_sum3A_66 : vector<1xf32> to vector<1x1x1xf32>
    %reduce_sum3A_68 = vector.extract %reduce_sum3A_67[0, 0, 0] : f32 from vector<1x1x1xf32>
    %add3A_69 = arith.addf %get3A_64, %reduce_sum3A_68 : f32
    %swap3A_70 = arith.constant 0 : index
    %swap3A_71 = arith.constant 0 : index
    %swap3A_72 = memref.load %arg6[%swap3A_70, %swap3A_71] : memref<1x1xf32, #tpu.memory_space<smem>>
    memref.store %add3A_69, %arg6[%swap3A_70, %swap3A_71] : memref<1x1xf32, #tpu.memory_space<smem>>
    return
  }
  func.func @transform_0(%arg0: i32) -> (i32, i32) {
    %c0_i32 = arith.constant 0 : i32
    %c0_i32_0 = arith.constant 0 : i32
    return %arg0, %c0_i32 : i32, i32
  }
  func.func @transform_1(%arg0: i32) -> (i32, i32) {
    %c0_i32 = arith.constant 0 : i32
    %c0_i32_0 = arith.constant 0 : i32
    %c0_i32_1 = arith.constant 0 : i32
    return %c0_i32, %c0_i32_0 : i32, i32
  }
  func.func @transform_2(%arg0: i32) -> (i32, i32) {
    %c0_i32 = arith.constant 0 : i32
    %c0_i32_0 = arith.constant 0 : i32
    %c0_i32_1 = arith.constant 0 : i32
    return %c0_i32, %c0_i32_0 : i32, i32
  }
  func.func @transform_3(%arg0: i32) -> (i32, i32) {
    %c0_i32 = arith.constant 0 : i32
    %c0_i32_0 = arith.constant 0 : i32
    return %arg0, %c0_i32 : i32, i32
  }
  func.func @transform_4(%arg0: i32) -> (i32, i32, i32) {
    %c0_i32 = arith.constant 0 : i32
    %c0_i32_0 = arith.constant 0 : i32
    %c0_i32_1 = arith.constant 0 : i32
    return %arg0, %c0_i32, %c0_i32_0 : i32, i32, i32
  }
  func.func @transform_5(%arg0: i32) -> (i32, i32) {
    %c0_i32 = arith.constant 0 : i32
    %c0_i32_0 = arith.constant 0 : i32
    %c0_i32_1 = arith.constant 0 : i32
    return %c0_i32, %c0_i32_0 : i32, i32
  }
}

</mosaic_0001>

<sc_bundles>
// kernel: kernel.4.cloned.1.call-start
scs
__scs_entry_jumppad:
0x0: {  	(pc) =	sbr.rel $0x88, $3  }
0x1: {  	(tag) =	ssettag $0x0;
	lr =	simm.s32 $0x1  }
0x2: {  	[smem:$0x3F9F] =	sst lr;
	_ =	strace $0xD0000000  }
0x3: {  	_ = 	snop  }
0x4: {  	_ = 	snop  }
0x5: {  	_ = 	snop  }
0x6: {  	_ = 	snop  }
0x7: {  	_ = 	snop  }
__scs_overlays_trampoline_lowered:
0x8: {  	[smem:$0x3FAE] =	sst s0  }
0x9: {  	[smem:$0x3FAF] =	sst s1  }
0xa: {  	[smem:$0x3FB0] =	sst s2  }
0xb: {  	[smem:$0x3FB1] =	sst s3  }
0xc: {  	[smem:$0x3FB2] =	sst s4  }
0xd: {  	[smem:$0x3FB3] =	sst s5  }
0xe: {  	[smem:$0x3FB4] =	sst s6  }
0xf: {  	[smem:$0x3FB5] =	sst s7  }
0x10: {  	[smem:$0x3FB6] =	sst s8  }
0x11: {  	[smem:$0x3FB7] =	sst s9;
	s0 =	simm.s32 @!p0 $0x0  }
0x12: {  	s1 =	sld [smem:$0x3F9D];
	s0 =	simm.s32 @p0 $0x1  }
0x13: {  	[smem:$0x3FB8] =	sst s0;
	s0 =	simm.s32 @!p1 $0x0  }
0x14: {  	s2 =	sld [smem:$0x3F9C];
	s0 =	simm.s32 @p1 $0x1  }
0x15: {  	[smem:$0x3FB9] =	sst s0;
	s0 =	simm.s32 @!p2 $0x0  }
0x16: {  	s3 =	sld [smem:$0x3FDB];
	s0 =	simm.s32 @p2 $0x1  }
0x17: {  	s4 =	simm.s32 $0x1BF5;
	[smem:$0x3FBB] =	sst s0  }
0x18: {  	s0 =	sld [smem:$0x3F9E];
	_ =	swait.ge [sflag:s4], $0x0  }
0x19: {  	s7 =	sld [smem:$0x3F9F]  }
0x1a: {  	s8 =	sadd.s32 $0xFFFFE003, lr  }
0x1b: {  	s9 =	sadd.s32 $0xFFFFFEF7, lr;
	s5 =	simm.s32 $0xFFFFFFFF;
	p2 =	slt.u32 s8, $0xFFFFF086  }
0x1c: {  	p1 =	slt.u32 s9, $0xF7A;
	s5 =	simm.s32 @!p2 $0x0  }
0x1d: {  	s5 =	simm.s32 @p1 $0x1;
	p0 =	seq.s32 s7, s2  }
0x1e: {  	s7 =	smul.u32 @!p0 $0xF7A, s2;
	p2 =	seq.s32 @!p0 s5, $0x0  }
0x1f: {  	s9 =	smul.u32 $0xF7A, s1;
	s8 =	simm.s32 @!p0 $0x1BF5;
	p2 =	por !p2, p0  }
0x20: {  	[sflag:s8] =	ssyncset.s32 @!p0 $0xFFFFF086;
	s6 =	sadd.s32 @!p0 s3, s7;
	s7 =	simm.s32 @!p0 $0x108  }
0x21: {  	s3 =	sadd.s32 s3, s9;
	s6 =	sadd.s32 @!p0 $0x88, s6;
	s7 =	simm.s32 @p2 $0x1082  }
0x22: {  	[simem:s7], [sflag:s8] =	dma.local @!p0 [hbm:s6], $0xF7A  }
0x23: {  	s9 =	sor.u32 $0xD0000000, s2;
	s6 =	simm.s32 $0x108;
	_ =	swait.ge @!p0 [sflag:s8], $0x0  }
0x24: {  	s3 =	sadd.s32 $0x88, s3;
	s6 =	simm.s32 @!p1 $0x1082;
	[sflag:s4] =	ssyncset.s32 $0xFFFFF086  }
0x25: {  	[simem:s6], [sflag:s4] =	dma.local [hbm:s3], $0xF7A  }
0x26: {  	[smem:$0x3F9F] =	sst s1;
	(tag) =	ssettag s2;
	_ =	strace s9  }
0x27: {  	s1 =	sld [smem:$0x3FAF]  }
0x28: {  	s2 =	sld [smem:$0x3FB0]  }
0x29: {  	s4 =	sld [smem:$0x3FB2]  }
0x2a: {  	p0 =	seq.s32 s5, $0x0;
	s5 =	sld [smem:$0x3FB3]  }
0x2b: {  	s6 =	sld [smem:$0x3FB4]  }
0x2c: {  	s7 =	sld [smem:$0x3FB5]  }
0x2d: {  	s3 =	simm.s32 $0x108;
	s8 =	sld [smem:$0x3FB6]  }
0x2e: {  	s3 =	simm.s32 @!p0 $0x1082;
	s9 =	sld [smem:$0x3FB7]  }
0x2f: {  	lr =	sadd.s32 s0, s3;
	s0 =	sld [smem:$0x3FAE]  }
0x30: {  	s3 =	sld [smem:$0x3FB1]  }
0x31: {  	[smem:$0x3FBA] =	sst s10  }
0x32: {  	s10 =	sld [smem:$0x3FB8];
	_ =	sdelay $0x3  }
0x33: {  	p0 =	seq.s32 s10, $0x1;
	s10 =	sld [smem:$0x3FBA];
	_ =	sdelay $0x3  }
0x34: {  	[smem:$0x3FBA] =	sst s10  }
0x35: {  	s10 =	sld [smem:$0x3FB9];
	_ =	sdelay $0x3  }
0x36: {  	p1 =	seq.s32 s10, $0x1;
	s10 =	sld [smem:$0x3FBA];
	_ =	sdelay $0x3  }
0x37: {  	[smem:$0x3FBA] =	sst s10  }
0x38: {  	s10 =	sld [smem:$0x3FBB]  }
0x39: {  	_ = 	snop;
	(pc) =	sbr.ind lr, $3  }
0x3a: {  	_ = 	snop  }
0x3b: {  	_ = 	snop  }
0x3c: {  	p2 =	seq.s32 s10, $0x1;
	s10 =	sld [smem:$0x3FBA]  }
0x3d: {  	_ =	shalt  }
0x3e: {  	_ =	shalt  }
0x3f: {  	_ =	shalt  }
0x40: {  	_ =	shalt  }
0x41: {  	_ =	shalt  }
0x42: {  	_ =	shalt  }
0x43: {  	_ =	shalt  }
0x44: {  	_ =	shalt  }
0x45: {  	_ =	shalt  }
0x46: {  	_ =	shalt  }
0x47: {  	_ =	shalt  }
0x48: {  	_ =	shalt  }
0x49: {  	_ =	shalt  }
0x4a: {  	_ =	shalt  }
0x4b: {  	_ =	shalt  }
0x4c: {  	_ =	shalt  }
0x4d: {  	_ =	shalt  }
0x4e: {  	_ =	shalt  }
0x4f: {  	_ =	shalt  }
0x50: {  	_ =	shalt  }
0x51: {  	_ =	shalt  }
0x52: {  	_ =	shalt  }
0x53: {  	_ =	shalt  }
0x54: {  	_ =	shalt  }
0x55: {  	_ =	shalt  }
0x56: {  	_ =	shalt  }
0x57: {  	_ =	shalt  }
0x58: {  	_ =	shalt  }
0x59: {  	_ =	shalt  }
0x5a: {  	_ =	shalt  }
0x5b: {  	_ =	shalt  }
0x5c: {  	_ =	shalt  }
0x5d: {  	_ =	shalt  }
0x5e: {  	_ =	shalt  }
0x5f: {  	_ =	shalt  }
0x60: {  	_ =	shalt  }
0x61: {  	_ =	shalt  }
0x62: {  	_ =	shalt  }
0x63: {  	_ =	shalt  }
0x64: {  	_ =	shalt  }
0x65: {  	_ =	shalt  }
0x66: {  	_ =	shalt  }
0x67: {  	_ =	shalt  }
0x68: {  	_ =	shalt  }
0x69: {  	_ =	shalt  }
0x6a: {  	_ =	shalt  }
0x6b: {  	_ =	shalt  }
0x6c: {  	_ =	shalt  }
0x6d: {  	_ =	shalt  }
0x6e: {  	_ =	shalt  }
0x6f: {  	_ =	shalt  }
0x70: {  	_ =	shalt  }
0x71: {  	_ =	shalt  }
0x72: {  	_ =	shalt  }
0x73: {  	_ =	shalt  }
0x74: {  	_ =	shalt  }
0x75: {  	_ =	shalt  }
0x76: {  	_ =	shalt  }
0x77: {  	_ =	shalt  }
0x78: {  	_ =	shalt  }
0x79: {  	_ =	shalt  }
0x7a: {  	_ =	shalt  }
0x7b: {  	_ =	shalt  }
0x7c: {  	_ =	shalt  }
0x7d: {  	_ =	shalt  }
0x7e: {  	_ =	shalt  }
0x7f: {  	_ =	shalt  }
0x80: {  	_ =	shalt  }
0x81: {  	_ =	shalt  }
0x82: {  	_ =	shalt  }
0x83: {  	_ =	shalt  }
0x84: {  	_ =	shalt  }
0x85: {  	_ =	shalt  }
0x86: {  	_ =	shalt  }
0x87: {  	_ =	shalt  }
.Lfunc_end0:
.L_simem_size_0:
called_computation_lowered:
.L_overlay_start_0:
0x88: {  	s2 =	sld [smem:$0x3FD9]  }
0x89: {  	s3 =	sld [smem:$0x3FFE];
	_ =	sdelay $0x1  }
0x8a: {  	s1 =	srdreg.scid  }
0x8b: {  	s0 =	sand.u32 $0x1, s1  }
0x8c: {  	s14 =	sshll.u32 s0, $0xA;
	s2 =	sadd.s32 s3, s2  }
0x8d: {  	s2 =	sadd.s32 s2, s14  }
0x8e: {  	[smem:$0x3FC6] =	sst s2  }
0x8f: {  	_ = 	snop  }
0x90: {  	s2 =	sld [smem:$0x3FD0];
	_ =	sdelay $0x2  }
0x91: {  	s15 =	simm.s32 $0xA;
	s4 =	simm.s32 $0x10  }
0x92: {  	[smem:s4], [sflag:s15] =	dma.local [hbm:s2], $0x1  }
0x93: {  	_ =	swait.eq [sflag:s15], $0x1  }
0x94: {  	[sflag:s15] =	ssyncset.done $0x0  }
0x95: {  	[sflag:s15] =	ssyncadd.s32 $0xFFFFFFFF  }
0x96: {  	s16 =	sld [smem:$0x12];
	(tm) =	ssettm $0x1  }
0x97: {  	s17 =	sld [smem:$0x3FFB];
	_ =	sdelay $0x3  }
0x98: {  	_ =	strace s17  }
0x99: {  	s3 =	sld [smem:$0x3FFC];
	_ =	sdelay $0x3  }
0x9a: {  	_ =	strace s3  }
0x9b: {  	s3 =	sld [smem:$0x3FFD];
	_ =	sdelay $0x3  }
0x9c: {  	_ =	strace s3  }
0x9d: {  	_ =	strace $0x8FFFFFFF  }
0x9e: {  	s18 =	sld [smem:$0x3FDB];
	_ =	sdelay $0x1  }
0x9f: {  	s19 =	simm.s32 $_scs_section_size  }
0xa0: {  	s5 =	simm.s32 $_size__tile_overlayer_lowered;
	s6 =	simm.s32 $_tile_overlayer_lowered  }
0xa1: {  	s22 =	simm.s32 $0x1BFF;
	s21 =	sshll.u32 s6, $0x1;
	s3 =	sadd.s32 s19, s18  }
0xa2: {  	s7 =	simm.s32 $0x0;
	s20 =	sshll.u32 s5, $0x1;
	s5 =	sadd.s32 s21, s3  }
0xa3: {  	[timem:s7], [sflag:s22] =	dma.local [hbm:s5], s20  }
0xa4: {  	_ =	swait.ge [sflag:s22], s20  }
0xa5: {  	s4 =	ssub.s32 $0x0, s20;
	[sflag:s22] =	ssyncset.done $0x0  }
0xa6: {  	[sflag:s22] =	ssyncadd.s32 s4;
	_ =	sdelay $0x1  }
0xa7: {  	s23 =	simm.s32 $0x1B8B  }
0xa8: {  	_ =	swait.ge [sflag:s23], $0x1  }
0xa9: {  	[sflag:s23] =	ssyncset.done $0x0  }
0xaa: {  	s25 =	simm.s32 $0x1B8E;
	s24 =	sld [smem:$0x3FFE];
	[sflag:s23] =	ssyncadd.s32 $0xFFFFFFFF  }
0xab: {  	s26 =	simm.s32 $execute0_lowered;
	[smem:$0x3FD2] =	sst s25  }
0xac: {  	s5 =	sshll.u32 s26, $0x1;
	_ =	strace $0x80000046;
	[dreg:$0x1] =	wrdreg $0xFFFFFFFF  }
0xad: {  	s28 =	simm.s32 $_size_execute0_lowered;
	s3 =	sadd.s32 s3, s5;
	[dreg:$0x0] =	wrdreg $0x0  }
0xae: {  	s5 =	sshll.u32 s28, $0x1;
	[dreg:$0x2] =	wrdreg s3  }
0xaf: {  	[dreg:$0x3] =	wrdreg s5  }
0xb0: {  	[dreg:$0x4] =	wrdreg $0xC0  }
0xb1: {  	_ =	task [dreg:s7], $0x5FFFF  }
0xb2: {  	[dreg:$0x1] =	wrdreg $0xFFFFFFFF  }
0xb3: {  	[dreg:$0x0] =	wrdreg $0x60  }
0xb4: {  	[dreg:$0x2] =	wrdreg s24  }
0xb5: {  	[dreg:$0x3] =	wrdreg s16  }
0xb6: {  	[dreg:$0x4] =	wrdreg $0x9  }
0xb7: {  	_ =	task.clear_ibuf [dreg:s7], $0x5FFFF;
	_ =	strace $0x90000046  }
0xb8: {  	s29 =	simm.s32 $0x9;
	_ =	strace $0x80000048  }
0xb9: {  	_ =	swait.ge [sflag:s29], $0x1  }
0xba: {  	[sflag:s29] =	ssyncadd.s32 $0xFFFFFFFF  }
0xbb: {  	_ =	strace $0x90000048  }
0xbc: {  	_ =	sfence  }
0xbd: {  	s30 =	sld [smem:$0x0];
	_ =	sdelay $0x2  }
0xbe: {  	s31 =	sshll.u32 s1, $0xD;
	s1 =	sshrl.u32 s1, $0x2  }
0xbf: {  	s3 =	sand.u32 $0x4000, s31;
	s1 =	sadd.s32 s1, s30  }
0xc0: {  	s0 =	sor.u32 s3, s0;
	s1 =	sshll.u32 s1, $0x11  }
0xc1: {  	s0 =	sor.u32 s1, s0  }
0xc2: {  	s0 =	sadd.s32 $0x8F2B, s0  }
0xc3: {  	[sflag:s0] =	ssyncadd.remote.s32 $0x1  }
0xc4: {  	_ =	sfence.sel $0xFFFF  }
0xc5: {  	[dreg:$0x0] =	wrdreg $0xFFFFFFFF;
	(pc) =	sbr.abs _section_cstart, $3  }
0xc6: {  	[dreg:$0x1] =	wrdreg $0xFFFFFFFF  }
0xc7: {  	_ =	task.clear_ibuf [dreg:s7], $0x2FFFF;
	_ =	strace $0x9FFFFFFF  }
0xc8: {  	(tm) =	ssettm $0x7FFFFFFF  }
0xc9: {  	_ =	shalt  }
tec
execute0_lowered:
.L_overlay_start_1:
0x0: {  	(tag) =	ssettag $0x1  }
0x1: {  	s5 =	rddreg [dreg:$0x0]  }
0x2: {  	s2 =	rddreg [dreg:$0x1]  }
0x3: {  	s0 =	rddreg [dreg:$0x2];
	s4 =	srdreg.scid  }
0x4: {  	s1 =	stileid.u32;
	s3 =	simm.s32 $0x0;
	s9 =	simm.s32 $0x2000  }
0x5: {  	s10 =	simm.s32 $0x400;
	s11 =	simm.s32 $0x8000;
	s12 =	simm.s32 $0xA000  }
0x6: {  	s13 =	simm.s32 $0x12000;
	s4 =	sand.u32 $0x1, s4;
	s6 =	sshll.u32 s1, $0x1  }
0x7: {  	s14 =	simm.s32 $0x0;
	[smem:$0x7FF] =	sst s3;
	s6 =	sor.u32 s4, s6  }
0x8: {  	_ =	strace $0x80000047;
	s4 =	ssub.s32 $0x2, s4;
	s7 =	sshll.u32 s6, $0xA  }
0x9: {  	s8 =	sshrl.u32 s4, $0x1;
	s6 =	sshll.u32 s6, $0x7;
	s7 =	sadd.s32 s7, s5  }
0xa: {  	s8 =	ssub.s32 s4, s8;
	s5 =	sadd.s32 s5, s6;
	s4 =	sadd.s32 $0x20000, s7  }
0xb: {  	s6 =	sadd.s32 $0x28000, s5;
	s7 =	smax.u32 s8, $0x1;
	s8 =	simm.s32 $0x1  }
.LBB2_1:
0xc: {  	[tilespmem:s3], [sflag:$0x1] =	stream.linear.gather [hbm4b:s4+s3], $0x2000, $0x38;
	[tilespmem:$0x1A000] =	vst v63  }
0xd: {  	_ =	swait.ge [sflag:s8], $0x2000  }
0xe: {  	[sflag:s8] =	ssyncset.done $0x0  }
0xf: {  	[sflag:s8] =	ssyncadd.s32 $0xFFFFE000  }
0x10: {  	[tilespmem:s9], [sflag:$0x1] =	stream.linear.gather [hbm4b:s2+s3], $0x8000, $0x38;
	[tilespmem:$0x1A000] =	vst v63  }
0x11: {  	_ =	swait.ge [sflag:s8], $0x8000  }
0x12: {  	[sflag:s8] =	ssyncset.done $0x0  }
0x13: {  	[sflag:s8] =	ssyncadd.s32 $0xFFFF8000  }
0x14: {  	[tilespmem:s12], [sflag:$0x1] =	stream.strided.gather [hbm4b:s5+s10], $0x8000, s11, s10, $0x38;
	[tilespmem:$0x1A000] =	vst v63  }
0x15: {  	_ =	swait.ge [sflag:s8], $0x8000  }
0x16: {  	[sflag:s8] =	ssyncset.done $0x0  }
0x17: {  	s15 =	simm.s32 $0x0;
	[sflag:s8] =	ssyncadd.s32 $0xFFFF8000  }
0x18: {  	v0 =	vld [tilespmem:s15+$0x2000];
	_ =	sdelay $0x7  }
0x19: {  	v1 =	vld.idx.msk [tilespmem:v0+s3+$0x0], $0xffff  }
0x1a: {  	v0 =	vld [tilespmem:s15+$0xA000]  }
0x1b: {  	s17 =	simm.s32 $0x10;
	s18 =	simm.s32 $0x80  }
.LBB2_2:
0x1c: {  	p0 =	sne.s32 s18, $0xFC0;
	v2 =	vld [tilespmem:s17+$0x2000];
	_ =	sdelay $0x2  }
0x1d: {  	v1 =	vsub.f32 v1, v0;
	_ =	sdelay $0x1  }
0x1e: {  	v0 =	vadd.f32 v1, v0  }
.Ltmp0:
0x1f: {  	(pc) =	sbr.rel @p0 .LBB2_2-.Ltmp0, $4  }
0x20: {  	s16 =	simm.s32 $0x0;
	[tilespmem:s15+$0x12000] =	vst v0;
	s15 =	smov.u32 s17  }
0x21: {  	v1 =	vld.idx.msk [tilespmem:v2+s16+$0x0], $0xffff  }
0x22: {  	v0 =	vld [tilespmem:s15+$0xA000]  }
0x23: {  	s17 =	sshra.s32 s18, $0x2;
	s18 =	sadd.s32 $0x40, s18  }
0x24: {  	v2 =	vld [tilespmem:s17+$0x2000];
	_ =	sdelay $0x2  }
0x25: {  	v1 =	vsub.f32 v1, v0;
	_ =	sdelay $0x1  }
0x26: {  	v0 =	vadd.f32 v1, v0;
	_ =	sdelay $0x1  }
0x27: {  	[tilespmem:s15+$0x12000] =	vst v0  }
0x28: {  	v0 =	vld.idx.msk [tilespmem:v2+s16+$0x0], $0xffff  }
0x29: {  	v1 =	vld [tilespmem:s17+$0xA000];
	_ =	sdelay $0x3  }
0x2a: {  	p1 =	por $0x1, $0x1  }
.Ltmp1:
0x2b: {  	v0 =	vsub.f32 v0, v1;
	(pc) =	sbr.rel @!p1 .LBB2_7-.Ltmp1, $4  }
0x2c: {  	_ = 	snop  }
0x2d: {  	v0 =	vadd.f32 v0, v1  }
0x2e: {  	p0 =	por $0x0, $0x0  }
0x2f: {  	p2 =	por $0x0, $0x0;
	s15 =	simm.s32 $0x0;
	[tilespmem:s17+$0x12000] =	vst v0;
	s17 =	simm.s32 $0x0  }
0x30: {  	v0 =	vld [tilespmem:s15+$0x2400];
	_ =	sdelay $0x3  }
0x31: {  	p3 =	por $0x1, $0x1  }
.Ltmp2:
0x32: {  	_ = 	snop;
	(pc) =	sbr.rel @!p3 .LBB2_5-.Ltmp2, $4  }
0x33: {  	_ = 	snop  }
0x34: {  	v1 =	vld [tilespmem:s15+$0xA400]  }
0x35: {  	s17 =	simm.s32 $0x10;
	v0 =	vld.idx.msk [tilespmem:v0+s16+$0x0], $0xffff  }
0x36: {  	s19 =	simm.s32 $0x80;
	p2 =	por $0x1, $0x1;
	s18 =	simm.s32 $0x0  }
.LBB2_6:
0x37: {  	p3 =	sne.s32 s19, $0xFC0;
	v2 =	vld [tilespmem:s17+$0x2400];
	_ =	sdelay $0x2  }
0x38: {  	v0 =	vsub.f32 v0, v1;
	_ =	sdelay $0x1  }
0x39: {  	v0 =	vadd.f32 v0, v1  }
.Ltmp3:
0x3a: {  	(pc) =	sbr.rel @p3 .LBB2_6-.Ltmp3, $4  }
0x3b: {  	[tilespmem:s18+$0x12400] =	vst v0;
	s18 =	smov.u32 s17  }
0x3c: {  	v0 =	vld.idx.msk [tilespmem:v2+s16+$0x0], $0xffff  }
0x3d: {  	v1 =	vld [tilespmem:s18+$0xA400]  }
0x3e: {  	s17 =	sshra.s32 s19, $0x2;
	s19 =	sadd.s32 $0x40, s19  }
.LBB2_7:
0x3f: {  	v2 =	vld [tilespmem:s17+$0x2400];
	_ =	sdelay $0x2  }
0x40: {  	v0 =	vsub.f32 @p2 v0, v1;
	_ =	sdelay $0x1  }
0x41: {  	v0 =	vadd.f32 @p2 v0, v1;
	_ =	sdelay $0x1  }
0x42: {  	[tilespmem:s18+$0x12400] =	vst @p2 v0  }
0x43: {  	v0 =	vld.idx.msk [tilespmem:v2+s16+$0x0], $0xffff  }
0x44: {  	v63 =	vld [tilespmem:s17+$0xA400];
	_ =	sdelay $0x4  }
.Ltmp4:
0x45: {  	v0 =	vsub.f32 v0, v63;
	(pc) =	sbr.rel @!p1 .LBB2_8-.Ltmp4, $3  }
0x46: {  	_ = 	snop  }
0x47: {  	v0 =	vadd.f32 v0, v63;
	_ =	sdelay $0x1  }
0x48: {  	[tilespmem:s17+$0x12400] =	vst v0  }
0x49: {  	v0 =	vld [tilespmem:s15+$0x2800];
	_ =	sdelay $0x3  }
0x4a: {  	p1 =	por $0x1, $0x1  }
.Ltmp5:
0x4b: {  	_ = 	snop;
	(pc) =	sbr.rel @!p1 .LBB2_11-.Ltmp5, $4  }
0x4c: {  	_ = 	snop  }
0x4d: {  	s16 =	simm.s32 $0x0;
	v1 =	vld [tilespmem:s15+$0xA800]  }
0x4e: {  	v0 =	vld.idx.msk [tilespmem:v0+s16+$0x0], $0xffff  }
0x4f: {  	s17 =	simm.s32 $0x10;
	s18 =	simm.s32 $0x80;
	p0 =	por $0x1, $0x1  }
.LBB2_10:
0x50: {  	p1 =	sne.s32 s18, $0xFC0;
	v2 =	vld [tilespmem:s17+$0x2800];
	_ =	sdelay $0x2  }
0x51: {  	v0 =	vsub.f32 v0, v1;
	_ =	sdelay $0x1  }
0x52: {  	v0 =	vadd.f32 v0, v1  }
.Ltmp6:
0x53: {  	(pc) =	sbr.rel @p1 .LBB2_10-.Ltmp6, $4  }
0x54: {  	[tilespmem:s15+$0x12800] =	vst v0;
	s15 =	smov.u32 s17  }
0x55: {  	v0 =	vld.idx.msk [tilespmem:v2+s16+$0x0], $0xffff  }
0x56: {  	v1 =	vld [tilespmem:s15+$0xA800]  }
0x57: {  	s17 =	sshra.s32 s18, $0x2;
	s18 =	sadd.s32 $0x40, s18  }
.LBB2_11:
0x58: {  	v2 =	vld [tilespmem:s17+$0x2800];
	_ =	sdelay $0x2  }
0x59: {  	v0 =	vsub.f32 @p0 v0, v1;
	_ =	sdelay $0x1  }
0x5a: {  	v0 =	vadd.f32 @p0 v0, v1;
	_ =	sdelay $0x1  }
0x5b: {  	s16 =	simm.s32 $0x0;
	[tilespmem:s15+$0x12800] =	vst @p0 v0  }
0x5c: {  	v0 =	vld.idx.msk [tilespmem:v2+s16+$0x0], $0xffff  }
0x5d: {  	v1 =	vld [tilespmem:s17+$0xA800];
	_ =	sdelay $0x3  }
0x5e: {  	p1 =	por $0x1, $0x1  }
.Ltmp7:
0x5f: {  	v0 =	vsub.f32 v0, v1;
	(pc) =	sbr.rel @!p1 .LBB2_15-.Ltmp7, $4  }
0x60: {  	_ = 	snop  }
0x61: {  	v0 =	vadd.f32 v0, v1  }
0x62: {  	p2 =	por $0x0, $0x0  }
0x63: {  	s15 =	simm.s32 $0x0;
	p0 =	por $0x0, $0x0;
	[tilespmem:s17+$0x12800] =	vst v0;
	s17 =	simm.s32 $0x0  }
0x64: {  	v0 =	vld [tilespmem:s15+$0x2C00];
	_ =	sdelay $0x3  }
0x65: {  	p3 =	por $0x1, $0x1  }
.Ltmp8:
0x66: {  	_ = 	snop;
	(pc) =	sbr.rel @!p3 .LBB2_13-.Ltmp8, $4  }
0x67: {  	_ = 	snop  }
0x68: {  	v1 =	vld [tilespmem:s15+$0xAC00]  }
0x69: {  	s17 =	simm.s32 $0x10;
	v0 =	vld.idx.msk [tilespmem:v0+s16+$0x0], $0xffff  }
0x6a: {  	s19 =	simm.s32 $0x80;
	p2 =	por $0x1, $0x1;
	s18 =	simm.s32 $0x0  }
.LBB2_14:
0x6b: {  	p3 =	sne.s32 s19, $0xFC0;
	v2 =	vld [tilespmem:s17+$0x2C00];
	_ =	sdelay $0x2  }
0x6c: {  	v0 =	vsub.f32 v0, v1;
	_ =	sdelay $0x1  }
0x6d: {  	v0 =	vadd.f32 v0, v1  }
.Ltmp9:
0x6e: {  	(pc) =	sbr.rel @p3 .LBB2_14-.Ltmp9, $4  }
0x6f: {  	[tilespmem:s18+$0x12C00] =	vst v0;
	s18 =	smov.u32 s17  }
0x70: {  	v0 =	vld.idx.msk [tilespmem:v2+s16+$0x0], $0xffff  }
0x71: {  	v1 =	vld [tilespmem:s18+$0xAC00]  }
0x72: {  	s17 =	sshra.s32 s19, $0x2;
	s19 =	sadd.s32 $0x40, s19  }
.LBB2_15:
0x73: {  	v2 =	vld [tilespmem:s17+$0x2C00];
	_ =	sdelay $0x2  }
0x74: {  	v0 =	vsub.f32 @p2 v0, v1;
	_ =	sdelay $0x1  }
0x75: {  	v0 =	vadd.f32 @p2 v0, v1;
	_ =	sdelay $0x1  }
0x76: {  	[tilespmem:s18+$0x12C00] =	vst @p2 v0  }
0x77: {  	v0 =	vld.idx.msk [tilespmem:v2+s16+$0x0], $0xffff  }
0x78: {  	v63 =	vld [tilespmem:s17+$0xAC00];
	_ =	sdelay $0x4  }
.Ltmp10:
0x79: {  	v0 =	vsub.f32 v0, v63;
	(pc) =	sbr.rel @!p1 .LBB2_16-.Ltmp10, $3  }
0x7a: {  	_ = 	snop  }
0x7b: {  	v0 =	vadd.f32 v0, v63;
	_ =	sdelay $0x1  }
0x7c: {  	[tilespmem:s17+$0x12C00] =	vst v0  }
0x7d: {  	v0 =	vld [tilespmem:s15+$0x3000];
	_ =	sdelay $0x3  }
0x7e: {  	p1 =	por $0x1, $0x1  }
.Ltmp11:
0x7f: {  	_ = 	snop;
	(pc) =	sbr.rel @!p1 .LBB2_19-.Ltmp11, $4  }
0x80: {  	_ = 	snop  }
0x81: {  	s16 =	simm.s32 $0x0;
	v1 =	vld [tilespmem:s15+$0xB000]  }
0x82: {  	v0 =	vld.idx.msk [tilespmem:v0+s16+$0x0], $0xffff  }
0x83: {  	s17 =	simm.s32 $0x10;
	s18 =	simm.s32 $0x80;
	p0 =	por $0x1, $0x1  }
.LBB2_18:
0x84: {  	p1 =	sne.s32 s18, $0xFC0;
	v2 =	vld [tilespmem:s17+$0x3000];
	_ =	sdelay $0x2  }
0x85: {  	v0 =	vsub.f32 v0, v1;
	_ =	sdelay $0x1  }
0x86: {  	v0 =	vadd.f32 v0, v1  }
.Ltmp12:
0x87: {  	(pc) =	sbr.rel @p1 .LBB2_18-.Ltmp12, $4  }
0x88: {  	[tilespmem:s15+$0x13000] =	vst v0;
	s15 =	smov.u32 s17  }
0x89: {  	v0 =	vld.idx.msk [tilespmem:v2+s16+$0x0], $0xffff  }
0x8a: {  	v1 =	vld [tilespmem:s15+$0xB000]  }
0x8b: {  	s17 =	sshra.s32 s18, $0x2;
	s18 =	sadd.s32 $0x40, s18  }
.LBB2_19:
0x8c: {  	v2 =	vld [tilespmem:s17+$0x3000];
	_ =	sdelay $0x2  }
0x8d: {  	v0 =	vsub.f32 @p0 v0, v1;
	_ =	sdelay $0x1  }
0x8e: {  	v0 =	vadd.f32 @p0 v0, v1;
	_ =	sdelay $0x1  }
0x8f: {  	s16 =	simm.s32 $0x0;
	[tilespmem:s15+$0x13000] =	vst @p0 v0  }
0x90: {  	v0 =	vld.idx.msk [tilespmem:v2+s16+$0x0], $0xffff  }
0x91: {  	v1 =	vld [tilespmem:s17+$0xB000];
	_ =	sdelay $0x3  }
0x92: {  	p1 =	por $0x1, $0x1  }
.Ltmp13:
0x93: {  	v0 =	vsub.f32 v0, v1;
	(pc) =	sbr.rel @!p1 .LBB2_23-.Ltmp13, $4  }
0x94: {  	_ = 	snop  }
0x95: {  	v0 =	vadd.f32 v0, v1  }
0x96: {  	p2 =	por $0x0, $0x0  }
0x97: {  	s15 =	simm.s32 $0x0;
	p0 =	por $0x0, $0x0;
	[tilespmem:s17+$0x13000] =	vst v0;
	s17 =	simm.s32 $0x0  }
0x98: {  	v0 =	vld [tilespmem:s15+$0x3400];
	_ =	sdelay $0x3  }
0x99: {  	p3 =	por $0x1, $0x1  }
.Ltmp14:
0x9a: {  	_ = 	snop;
	(pc) =	sbr.rel @!p3 .LBB2_21-.Ltmp14, $4  }
0x9b: {  	_ = 	snop  }
0x9c: {  	v1 =	vld [tilespmem:s15+$0xB400]  }
0x9d: {  	s17 =	simm.s32 $0x10;
	v0 =	vld.idx.msk [tilespmem:v0+s16+$0x0], $0xffff  }
0x9e: {  	s19 =	simm.s32 $0x80;
	p2 =	por $0x1, $0x1;
	s18 =	simm.s32 $0x0  }
.LBB2_22:
0x9f: {  	p3 =	sne.s32 s19, $0xFC0;
	v2 =	vld [tilespmem:s17+$0x3400];
	_ =	sdelay $0x2  }
0xa0: {  	v0 =	vsub.f32 v0, v1;
	_ =	sdelay $0x1  }
0xa1: {  	v0 =	vadd.f32 v0, v1  }
.Ltmp15:
0xa2: {  	(pc) =	sbr.rel @p3 .LBB2_22-.Ltmp15, $4  }
0xa3: {  	[tilespmem:s18+$0x13400] =	vst v0;
	s18 =	smov.u32 s17  }
0xa4: {  	v0 =	vld.idx.msk [tilespmem:v2+s16+$0x0], $0xffff  }
0xa5: {  	v1 =	vld [tilespmem:s18+$0xB400]  }
0xa6: {  	s17 =	sshra.s32 s19, $0x2;
	s19 =	sadd.s32 $0x40, s19  }
.LBB2_23:
0xa7: {  	v2 =	vld [tilespmem:s17+$0x3400];
	_ =	sdelay $0x2  }
0xa8: {  	v0 =	vsub.f32 @p2 v0, v1;
	_ =	sdelay $0x1  }
0xa9: {  	v0 =	vadd.f32 @p2 v0, v1;
	_ =	sdelay $0x1  }
0xaa: {  	[tilespmem:s18+$0x13400] =	vst @p2 v0  }
0xab: {  	v0 =	vld.idx.msk [tilespmem:v2+s16+$0x0], $0xffff  }
0xac: {  	v63 =	vld [tilespmem:s17+$0xB400];
	_ =	sdelay $0x4  }
.Ltmp16:
0xad: {  	v0 =	vsub.f32 v0, v63;
	(pc) =	sbr.rel @!p1 .LBB2_24-.Ltmp16, $3  }
0xae: {  	_ = 	snop  }
0xaf: {  	v0 =	vadd.f32 v0, v63;
	_ =	sdelay $0x1  }
0xb0: {  	[tilespmem:s17+$0x13400] =	vst v0  }
0xb1: {  	v0 =	vld [tilespmem:s15+$0x3800];
	_ =	sdelay $0x3  }
0xb2: {  	p1 =	por $0x1, $0x1  }
.Ltmp17:
0xb3: {  	_ = 	snop;
	(pc) =	sbr.rel @!p1 .LBB2_27-.Ltmp17, $4  }
0xb4: {  	_ = 	snop  }
0xb5: {  	s16 =	simm.s32 $0x0;
	v1 =	vld [tilespmem:s15+$0xB800]  }
0xb6: {  	v0 =	vld.idx.msk [tilespmem:v0+s16+$0x0], $0xffff  }
0xb7: {  	s17 =	simm.s32 $0x10;
	s18 =	simm.s32 $0x80;
	p0 =	por $0x1, $0x1  }
.LBB2_26:
0xb8: {  	p1 =	sne.s32 s18, $0xFC0;
	v2 =	vld [tilespmem:s17+$0x3800];
	_ =	sdelay $0x2  }
0xb9: {  	v0 =	vsub.f32 v0, v1;
	_ =	sdelay $0x1  }
0xba: {  	v0 =	vadd.f32 v0, v1  }
.Ltmp18:
0xbb: {  	(pc) =	sbr.rel @p1 .LBB2_26-.Ltmp18, $4  }
0xbc: {  	[tilespmem:s15+$0x13800] =	vst v0;
	s15 =	smov.u32 s17  }
0xbd: {  	v0 =	vld.idx.msk [tilespmem:v2+s16+$0x0], $0xffff  }
0xbe: {  	v1 =	vld [tilespmem:s15+$0xB800]  }
0xbf: {  	s17 =	sshra.s32 s18, $0x2;
	s18 =	sadd.s32 $0x40, s18  }
.LBB2_27:
0xc0: {  	v2 =	vld [tilespmem:s17+$0x3800];
	_ =	sdelay $0x2  }
0xc1: {  	v0 =	vsub.f32 @p0 v0, v1;
	_ =	sdelay $0x1  }
0xc2: {  	v0 =	vadd.f32 @p0 v0, v1;
	_ =	sdelay $0x1  }
0xc3: {  	s16 =	simm.s32 $0x0;
	[tilespmem:s15+$0x13800] =	vst @p0 v0  }
0xc4: {  	v0 =	vld.idx.msk [tilespmem:v2+s16+$0x0], $0xffff  }
0xc5: {  	v1 =	vld [tilespmem:s17+$0xB800];
	_ =	sdelay $0x3  }
0xc6: {  	p1 =	por $0x1, $0x1  }
.Ltmp19:
0xc7: {  	v0 =	vsub.f32 v0, v1;
	(pc) =	sbr.rel @!p1 .LBB2_31-.Ltmp19, $4  }
0xc8: {  	_ = 	snop  }
0xc9: {  	v0 =	vadd.f32 v0, v1  }
0xca: {  	p2 =	por $0x0, $0x0  }
0xcb: {  	s15 =	simm.s32 $0x0;
	p0 =	por $0x0, $0x0;
	[tilespmem:s17+$0x13800] =	vst v0;
	s17 =	simm.s32 $0x0  }
0xcc: {  	v0 =	vld [tilespmem:s15+$0x3C00];
	_ =	sdelay $0x3  }
0xcd: {  	p3 =	por $0x1, $0x1  }
.Ltmp20:
0xce: {  	_ = 	snop;
	(pc) =	sbr.rel @!p3 .LBB2_29-.Ltmp20, $4  }
0xcf: {  	_ = 	snop  }
0xd0: {  	v1 =	vld [tilespmem:s15+$0xBC00]  }
0xd1: {  	s17 =	simm.s32 $0x10;
	v0 =	vld.idx.msk [tilespmem:v0+s16+$0x0], $0xffff  }
0xd2: {  	s19 =	simm.s32 $0x80;
	p2 =	por $0x1, $0x1;
	s18 =	simm.s32 $0x0  }
.LBB2_30:
0xd3: {  	p3 =	sne.s32 s19, $0xFC0;
	v2 =	vld [tilespmem:s17+$0x3C00];
	_ =	sdelay $0x2  }
0xd4: {  	v0 =	vsub.f32 v0, v1;
	_ =	sdelay $0x1  }
0xd5: {  	v0 =	vadd.f32 v0, v1  }
.Ltmp21:
0xd6: {  	(pc) =	sbr.rel @p3 .LBB2_30-.Ltmp21, $4  }
0xd7: {  	[tilespmem:s18+$0x13C00] =	vst v0;
	s18 =	smov.u32 s17  }
0xd8: {  	v0 =	vld.idx.msk [tilespmem:v2+s16+$0x0], $0xffff  }
0xd9: {  	v1 =	vld [tilespmem:s18+$0xBC00]  }
0xda: {  	s17 =	sshra.s32 s19, $0x2;
	s19 =	sadd.s32 $0x40, s19  }
.LBB2_31:
0xdb: {  	v2 =	vld [tilespmem:s17+$0x3C00];
	_ =	sdelay $0x2  }
0xdc: {  	v0 =	vsub.f32 @p2 v0, v1;
	_ =	sdelay $0x1  }
0xdd: {  	v0 =	vadd.f32 @p2 v0, v1;
	_ =	sdelay $0x1  }
0xde: {  	[tilespmem:s18+$0x13C00] =	vst @p2 v0  }
0xdf: {  	v0 =	vld.idx.msk [tilespmem:v2+s16+$0x0], $0xffff  }
0xe0: {  	v63 =	vld [tilespmem:s17+$0xBC00];
	_ =	sdelay $0x4  }
.Ltmp22:
0xe1: {  	v0 =	vsub.f32 v0, v63;
	(pc) =	sbr.rel @!p1 .LBB2_32-.Ltmp22, $3  }
0xe2: {  	_ = 	snop  }
0xe3: {  	v0 =	vadd.f32 v0, v63;
	_ =	sdelay $0x1  }
0xe4: {  	[tilespmem:s17+$0x13C00] =	vst v0  }
0xe5: {  	v0 =	vld [tilespmem:s15+$0x4000];
	_ =	sdelay $0x3  }
0xe6: {  	p1 =	por $0x1, $0x1  }
.Ltmp23:
0xe7: {  	_ = 	snop;
	(pc) =	sbr.rel @!p1 .LBB2_35-.Ltmp23, $4  }
0xe8: {  	_ = 	snop  }
0xe9: {  	s16 =	simm.s32 $0x0;
	v1 =	vld [tilespmem:s15+$0xC000]  }
0xea: {  	v0 =	vld.idx.msk [tilespmem:v0+s16+$0x0], $0xffff  }
0xeb: {  	s17 =	simm.s32 $0x10;
	s18 =	simm.s32 $0x80;
	p0 =	por $0x1, $0x1  }
.LBB2_34:
0xec: {  	p1 =	sne.s32 s18, $0xFC0;
	v2 =	vld [tilespmem:s17+$0x4000];
	_ =	sdelay $0x2  }
0xed: {  	v0 =	vsub.f32 v0, v1;
	_ =	sdelay $0x1  }
0xee: {  	v0 =	vadd.f32 v0, v1  }
.Ltmp24:
0xef: {  	(pc) =	sbr.rel @p1 .LBB2_34-.Ltmp24, $4  }
0xf0: {  	[tilespmem:s15+$0x14000] =	vst v0;
	s15 =	smov.u32 s17  }
0xf1: {  	v0 =	vld.idx.msk [tilespmem:v2+s16+$0x0], $0xffff  }
0xf2: {  	v1 =	vld [tilespmem:s15+$0xC000]  }
0xf3: {  	s17 =	sshra.s32 s18, $0x2;
	s18 =	sadd.s32 $0x40, s18  }
.LBB2_35:
0xf4: {  	v2 =	vld [tilespmem:s17+$0x4000];
	_ =	sdelay $0x2  }
0xf5: {  	v0 =	vsub.f32 @p0 v0, v1;
	_ =	sdelay $0x1  }
0xf6: {  	v0 =	vadd.f32 @p0 v0, v1;
	_ =	sdelay $0x1  }
0xf7: {  	s16 =	simm.s32 $0x0;
	[tilespmem:s15+$0x14000] =	vst @p0 v0  }
0xf8: {  	v0 =	vld.idx.msk [tilespmem:v2+s16+$0x0], $0xffff  }
0xf9: {  	v1 =	vld [tilespmem:s17+$0xC000];
	_ =	sdelay $0x3  }
0xfa: {  	p1 =	por $0x1, $0x1  }
.Ltmp25:
0xfb: {  	v0 =	vsub.f32 v0, v1;
	(pc) =	sbr.rel @!p1 .LBB2_39-.Ltmp25, $4  }
0xfc: {  	_ = 	snop  }
0xfd: {  	v0 =	vadd.f32 v0, v1  }
0xfe: {  	p2 =	por $0x0, $0x0  }
0xff: {  	s15 =	simm.s32 $0x0;
	p0 =	por $0x0, $0x0;
	[tilespmem:s17+$0x14000] =	vst v0;
	s17 =	simm.s32 $0x0  }
0x100: {  	v0 =	vld [tilespmem:s15+$0x4400];
	_ =	sdelay $0x3  }
0x101: {  	p3 =	por $0x1, $0x1  }
.Ltmp26:
0x102: {  	_ = 	snop;
	(pc) =	sbr.rel @!p3 .LBB2_37-.Ltmp26, $4  }
0x103: {  	_ = 	snop  }
0x104: {  	v1 =	vld [tilespmem:s15+$0xC400]  }
0x105: {  	s17 =	simm.s32 $0x10;
	v0 =	vld.idx.msk [tilespmem:v0+s16+$0x0], $0xffff  }
0x106: {  	s19 =	simm.s32 $0x80;
	p2 =	por $0x1, $0x1;
	s18 =	simm.s32 $0x0  }
.LBB2_38:
0x107: {  	p3 =	sne.s32 s19, $0xFC0;
	v2 =	vld [tilespmem:s17+$0x4400];
	_ =	sdelay $0x2  }
0x108: {  	v0 =	vsub.f32 v0, v1;
	_ =	sdelay $0x1  }
0x109: {  	v0 =	vadd.f32 v0, v1  }
.Ltmp27:
0x10a: {  	(pc) =	sbr.rel @p3 .LBB2_38-.Ltmp27, $4  }
0x10b: {  	[tilespmem:s18+$0x14400] =	vst v0;
	s18 =	smov.u32 s17  }
0x10c: {  	v0 =	vld.idx.msk [tilespmem:v2+s16+$0x0], $0xffff  }
0x10d: {  	v1 =	vld [tilespmem:s18+$0xC400]  }
0x10e: {  	s17 =	sshra.s32 s19, $0x2;
	s19 =	sadd.s32 $0x40, s19  }
.LBB2_39:
0x10f: {  	v2 =	vld [tilespmem:s17+$0x4400];
	_ =	sdelay $0x2  }
0x110: {  	v0 =	vsub.f32 @p2 v0, v1;
	_ =	sdelay $0x1  }
0x111: {  	v0 =	vadd.f32 @p2 v0, v1;
	_ =	sdelay $0x1  }
0x112: {  	[tilespmem:s18+$0x14400] =	vst @p2 v0  }
0x113: {  	v0 =	vld.idx.msk [tilespmem:v2+s16+$0x0], $0xffff  }
0x114: {  	v63 =	vld [tilespmem:s17+$0xC400];
	_ =	sdelay $0x4  }
.Ltmp28:
0x115: {  	v0 =	vsub.f32 v0, v63;
	(pc) =	sbr.rel @!p1 .LBB2_40-.Ltmp28, $3  }
0x116: {  	_ = 	snop  }
0x117: {  	v0 =	vadd.f32 v0, v63;
	_ =	sdelay $0x1  }
0x118: {  	[tilespmem:s17+$0x14400] =	vst v0  }
0x119: {  	v0 =	vld [tilespmem:s15+$0x4800];
	_ =	sdelay $0x3  }
0x11a: {  	p1 =	por $0x1, $0x1  }
.Ltmp29:
0x11b: {  	_ = 	snop;
	(pc) =	sbr.rel @!p1 .LBB2_43-.Ltmp29, $4  }
0x11c: {  	_ = 	snop  }
0x11d: {  	s16 =	simm.s32 $0x0;
	v1 =	vld [tilespmem:s15+$0xC800]  }
0x11e: {  	v0 =	vld.idx.msk [tilespmem:v0+s16+$0x0], $0xffff  }
0x11f: {  	s17 =	simm.s32 $0x10;
	s18 =	simm.s32 $0x80;
	p0 =	por $0x1, $0x1  }
.LBB2_42:
0x120: {  	p1 =	sne.s32 s18, $0xFC0;
	v2 =	vld [tilespmem:s17+$0x4800];
	_ =	sdelay $0x2  }
0x121: {  	v0 =	vsub.f32 v0, v1;
	_ =	sdelay $0x1  }
0x122: {  	v0 =	vadd.f32 v0, v1  }
.Ltmp30:
0x123: {  	(pc) =	sbr.rel @p1 .LBB2_42-.Ltmp30, $4  }
0x124: {  	[tilespmem:s15+$0x14800] =	vst v0;
	s15 =	smov.u32 s17  }
0x125: {  	v0 =	vld.idx.msk [tilespmem:v2+s16+$0x0], $0xffff  }
0x126: {  	v1 =	vld [tilespmem:s15+$0xC800]  }
0x127: {  	s17 =	sshra.s32 s18, $0x2;
	s18 =	sadd.s32 $0x40, s18  }
.LBB2_43:
0x128: {  	v2 =	vld [tilespmem:s17+$0x4800];
	_ =	sdelay $0x2  }
0x129: {  	v0 =	vsub.f32 @p0 v0, v1;
	_ =	sdelay $0x1  }
0x12a: {  	v0 =	vadd.f32 @p0 v0, v1;
	_ =	sdelay $0x1  }
0x12b: {  	s16 =	simm.s32 $0x0;
	[tilespmem:s15+$0x14800] =	vst @p0 v0  }
0x12c: {  	v0 =	vld.idx.msk [tilespmem:v2+s16+$0x0], $0xffff  }
0x12d: {  	v1 =	vld [tilespmem:s17+$0xC800];
	_ =	sdelay $0x3  }
0x12e: {  	p1 =	por $0x1, $0x1  }
.Ltmp31:
0x12f: {  	v0 =	vsub.f32 v0, v1;
	(pc) =	sbr.rel @!p1 .LBB2_47-.Ltmp31, $4  }
0x130: {  	_ = 	snop  }
0x131: {  	v0 =	vadd.f32 v0, v1  }
0x132: {  	p2 =	por $0x0, $0x0  }
0x133: {  	s15 =	simm.s32 $0x0;
	p0 =	por $0x0, $0x0;
	[tilespmem:s17+$0x14800] =	vst v0;
	s17 =	simm.s32 $0x0  }
0x134: {  	v0 =	vld [tilespmem:s15+$0x4C00];
	_ =	sdelay $0x3  }
0x135: {  	p3 =	por $0x1, $0x1  }
.Ltmp32:
0x136: {  	_ = 	snop;
	(pc) =	sbr.rel @!p3 .LBB2_45-.Ltmp32, $4  }
0x137: {  	_ = 	snop  }
0x138: {  	v1 =	vld [tilespmem:s15+$0xCC00]  }
0x139: {  	s17 =	simm.s32 $0x10;
	v0 =	vld.idx.msk [tilespmem:v0+s16+$0x0], $0xffff  }
0x13a: {  	s19 =	simm.s32 $0x80;
	p2 =	por $0x1, $0x1;
	s18 =	simm.s32 $0x0  }
.LBB2_46:
0x13b: {  	p3 =	sne.s32 s19, $0xFC0;
	v2 =	vld [tilespmem:s17+$0x4C00];
	_ =	sdelay $0x2  }
0x13c: {  	v0 =	vsub.f32 v0, v1;
	_ =	sdelay $0x1  }
0x13d: {  	v0 =	vadd.f32 v0, v1  }
.Ltmp33:
0x13e: {  	(pc) =	sbr.rel @p3 .LBB2_46-.Ltmp33, $4  }
0x13f: {  	[tilespmem:s18+$0x14C00] =	vst v0;
	s18 =	smov.u32 s17  }
0x140: {  	v0 =	vld.idx.msk [tilespmem:v2+s16+$0x0], $0xffff  }
0x141: {  	v1 =	vld [tilespmem:s18+$0xCC00]  }
0x142: {  	s17 =	sshra.s32 s19, $0x2;
	s19 =	sadd.s32 $0x40, s19  }
.LBB2_47:
0x143: {  	v2 =	vld [tilespmem:s17+$0x4C00];
	_ =	sdelay $0x2  }
0x144: {  	v0 =	vsub.f32 @p2 v0, v1;
	_ =	sdelay $0x1  }
0x145: {  	v0 =	vadd.f32 @p2 v0, v1;
	_ =	sdelay $0x1  }
0x146: {  	[tilespmem:s18+$0x14C00] =	vst @p2 v0  }
0x147: {  	v0 =	vld.idx.msk [tilespmem:v2+s16+$0x0], $0xffff  }
0x148: {  	v63 =	vld [tilespmem:s17+$0xCC00];
	_ =	sdelay $0x4  }
.Ltmp34:
0x149: {  	v0 =	vsub.f32 v0, v63;
	(pc) =	sbr.rel @!p1 .LBB2_48-.Ltmp34, $3  }
0x14a: {  	_ = 	snop  }
0x14b: {  	v0 =	vadd.f32 v0, v63;
	_ =	sdelay $0x1  }
0x14c: {  	[tilespmem:s17+$0x14C00] =	vst v0  }
0x14d: {  	v0 =	vld [tilespmem:s15+$0x5000];
	_ =	sdelay $0x3  }
0x14e: {  	p1 =	por $0x1, $0x1  }
.Ltmp35:
0x14f: {  	_ = 	snop;
	(pc) =	sbr.rel @!p1 .LBB2_51-.Ltmp35, $4  }
0x150: {  	_ = 	snop  }
0x151: {  	s16 =	simm.s32 $0x0;
	v1 =	vld [tilespmem:s15+$0xD000]  }
0x152: {  	v0 =	vld.idx.msk [tilespmem:v0+s16+$0x0], $0xffff  }
0x153: {  	s17 =	simm.s32 $0x10;
	s18 =	simm.s32 $0x80;
	p0 =	por $0x1, $0x1  }
.LBB2_50:
0x154: {  	p1 =	sne.s32 s18, $0xFC0;
	v2 =	vld [tilespmem:s17+$0x5000];
	_ =	sdelay $0x2  }
0x155: {  	v0 =	vsub.f32 v0, v1;
	_ =	sdelay $0x1  }
0x156: {  	v0 =	vadd.f32 v0, v1  }
.Ltmp36:
0x157: {  	(pc) =	sbr.rel @p1 .LBB2_50-.Ltmp36, $4  }
0x158: {  	[tilespmem:s15+$0x15000] =	vst v0;
	s15 =	smov.u32 s17  }
0x159: {  	v0 =	vld.idx.msk [tilespmem:v2+s16+$0x0], $0xffff  }
0x15a: {  	v1 =	vld [tilespmem:s15+$0xD000]  }
0x15b: {  	s17 =	sshra.s32 s18, $0x2;
	s18 =	sadd.s32 $0x40, s18  }
.LBB2_51:
0x15c: {  	v2 =	vld [tilespmem:s17+$0x5000];
	_ =	sdelay $0x2  }
0x15d: {  	v0 =	vsub.f32 @p0 v0, v1;
	_ =	sdelay $0x1  }
0x15e: {  	v0 =	vadd.f32 @p0 v0, v1;
	_ =	sdelay $0x1  }
0x15f: {  	s16 =	simm.s32 $0x0;
	[tilespmem:s15+$0x15000] =	vst @p0 v0  }
0x160: {  	v0 =	vld.idx.msk [tilespmem:v2+s16+$0x0], $0xffff  }
0x161: {  	v1 =	vld [tilespmem:s17+$0xD000];
	_ =	sdelay $0x3  }
0x162: {  	p1 =	por $0x1, $0x1  }
.Ltmp37:
0x163: {  	v0 =	vsub.f32 v0, v1;
	(pc) =	sbr.rel @!p1 .LBB2_55-.Ltmp37, $4  }
0x164: {  	_ = 	snop  }
0x165: {  	v0 =	vadd.f32 v0, v1  }
0x166: {  	p2 =	por $0x0, $0x0  }
0x167: {  	s15 =	simm.s32 $0x0;
	p0 =	por $0x0, $0x0;
	[tilespmem:s17+$0x15000] =	vst v0;
	s17 =	simm.s32 $0x0  }
0x168: {  	v0 =	vld [tilespmem:s15+$0x5400];
	_ =	sdelay $0x3  }
0x169: {  	p3 =	por $0x1, $0x1  }
.Ltmp38:
0x16a: {  	_ = 	snop;
	(pc) =	sbr.rel @!p3 .LBB2_53-.Ltmp38, $4  }
0x16b: {  	_ = 	snop  }
0x16c: {  	v1 =	vld [tilespmem:s15+$0xD400]  }
0x16d: {  	s17 =	simm.s32 $0x10;
	v0 =	vld.idx.msk [tilespmem:v0+s16+$0x0], $0xffff  }
0x16e: {  	s19 =	simm.s32 $0x80;
	p2 =	por $0x1, $0x1;
	s18 =	simm.s32 $0x0  }
.LBB2_54:
0x16f: {  	p3 =	sne.s32 s19, $0xFC0;
	v2 =	vld [tilespmem:s17+$0x5400];
	_ =	sdelay $0x2  }
0x170: {  	v0 =	vsub.f32 v0, v1;
	_ =	sdelay $0x1  }
0x171: {  	v0 =	vadd.f32 v0, v1  }
.Ltmp39:
0x172: {  	(pc) =	sbr.rel @p3 .LBB2_54-.Ltmp39, $4  }
0x173: {  	[tilespmem:s18+$0x15400] =	vst v0;
	s18 =	smov.u32 s17  }
0x174: {  	v0 =	vld.idx.msk [tilespmem:v2+s16+$0x0], $0xffff  }
0x175: {  	v1 =	vld [tilespmem:s18+$0xD400]  }
0x176: {  	s17 =	sshra.s32 s19, $0x2;
	s19 =	sadd.s32 $0x40, s19  }
.LBB2_55:
0x177: {  	v2 =	vld [tilespmem:s17+$0x5400];
	_ =	sdelay $0x2  }
0x178: {  	v0 =	vsub.f32 @p2 v0, v1;
	_ =	sdelay $0x1  }
0x179: {  	v0 =	vadd.f32 @p2 v0, v1;
	_ =	sdelay $0x1  }
0x17a: {  	[tilespmem:s18+$0x15400] =	vst @p2 v0  }
0x17b: {  	v0 =	vld.idx.msk [tilespmem:v2+s16+$0x0], $0xffff  }
0x17c: {  	v63 =	vld [tilespmem:s17+$0xD400];
	_ =	sdelay $0x4  }
.Ltmp40:
0x17d: {  	v0 =	vsub.f32 v0, v63;
	(pc) =	sbr.rel @!p1 .LBB2_56-.Ltmp40, $3  }
0x17e: {  	_ = 	snop  }
0x17f: {  	v0 =	vadd.f32 v0, v63;
	_ =	sdelay $0x1  }
0x180: {  	[tilespmem:s17+$0x15400] =	vst v0  }
0x181: {  	v0 =	vld [tilespmem:s15+$0x5800];
	_ =	sdelay $0x3  }
0x182: {  	p1 =	por $0x1, $0x1  }
.Ltmp41:
0x183: {  	_ = 	snop;
	(pc) =	sbr.rel @!p1 .LBB2_59-.Ltmp41, $4  }
0x184: {  	_ = 	snop  }
0x185: {  	s16 =	simm.s32 $0x0;
	v1 =	vld [tilespmem:s15+$0xD800]  }
0x186: {  	v0 =	vld.idx.msk [tilespmem:v0+s16+$0x0], $0xffff  }
0x187: {  	s17 =	simm.s32 $0x10;
	s18 =	simm.s32 $0x80;
	p0 =	por $0x1, $0x1  }
.LBB2_58:
0x188: {  	p1 =	sne.s32 s18, $0xFC0;
	v2 =	vld [tilespmem:s17+$0x5800];
	_ =	sdelay $0x2  }
0x189: {  	v0 =	vsub.f32 v0, v1;
	_ =	sdelay $0x1  }
0x18a: {  	v0 =	vadd.f32 v0, v1  }
.Ltmp42:
0x18b: {  	(pc) =	sbr.rel @p1 .LBB2_58-.Ltmp42, $4  }
0x18c: {  	[tilespmem:s15+$0x15800] =	vst v0;
	s15 =	smov.u32 s17  }
0x18d: {  	v0 =	vld.idx.msk [tilespmem:v2+s16+$0x0], $0xffff  }
0x18e: {  	v1 =	vld [tilespmem:s15+$0xD800]  }
0x18f: {  	s17 =	sshra.s32 s18, $0x2;
	s18 =	sadd.s32 $0x40, s18  }
.LBB2_59:
0x190: {  	v2 =	vld [tilespmem:s17+$0x5800];
	_ =	sdelay $0x2  }
0x191: {  	v0 =	vsub.f32 @p0 v0, v1;
	_ =	sdelay $0x1  }
0x192: {  	v0 =	vadd.f32 @p0 v0, v1;
	_ =	sdelay $0x1  }
0x193: {  	s16 =	simm.s32 $0x0;
	[tilespmem:s15+$0x15800] =	vst @p0 v0  }
0x194: {  	v0 =	vld.idx.msk [tilespmem:v2+s16+$0x0], $0xffff  }
0x195: {  	v1 =	vld [tilespmem:s17+$0xD800];
	_ =	sdelay $0x3  }
0x196: {  	p1 =	por $0x1, $0x1  }
.Ltmp43:
0x197: {  	v0 =	vsub.f32 v0, v1;
	(pc) =	sbr.rel @!p1 .LBB2_63-.Ltmp43, $4  }
0x198: {  	_ = 	snop  }
0x199: {  	v0 =	vadd.f32 v0, v1  }
0x19a: {  	p2 =	por $0x0, $0x0  }
0x19b: {  	s15 =	simm.s32 $0x0;
	p0 =	por $0x0, $0x0;
	[tilespmem:s17+$0x15800] =	vst v0;
	s17 =	simm.s32 $0x0  }
0x19c: {  	v0 =	vld [tilespmem:s15+$0x5C00];
	_ =	sdelay $0x3  }
0x19d: {  	p3 =	por $0x1, $0x1  }
.Ltmp44:
0x19e: {  	_ = 	snop;
	(pc) =	sbr.rel @!p3 .LBB2_61-.Ltmp44, $4  }
0x19f: {  	_ = 	snop  }
0x1a0: {  	v1 =	vld [tilespmem:s15+$0xDC00]  }
0x1a1: {  	s17 =	simm.s32 $0x10;
	v0 =	vld.idx.msk [tilespmem:v0+s16+$0x0], $0xffff  }
0x1a2: {  	s19 =	simm.s32 $0x80;
	p2 =	por $0x1, $0x1;
	s18 =	simm.s32 $0x0  }
.LBB2_62:
0x1a3: {  	p3 =	sne.s32 s19, $0xFC0;
	v2 =	vld [tilespmem:s17+$0x5C00];
	_ =	sdelay $0x2  }
0x1a4: {  	v0 =	vsub.f32 v0, v1;
	_ =	sdelay $0x1  }
0x1a5: {  	v0 =	vadd.f32 v0, v1  }
.Ltmp45:
0x1a6: {  	(pc) =	sbr.rel @p3 .LBB2_62-.Ltmp45, $4  }
0x1a7: {  	[tilespmem:s18+$0x15C00] =	vst v0;
	s18 =	smov.u32 s17  }
0x1a8: {  	v0 =	vld.idx.msk [tilespmem:v2+s16+$0x0], $0xffff  }
0x1a9: {  	v1 =	vld [tilespmem:s18+$0xDC00]  }
0x1aa: {  	s17 =	sshra.s32 s19, $0x2;
	s19 =	sadd.s32 $0x40, s19  }
.LBB2_63:
0x1ab: {  	v2 =	vld [tilespmem:s17+$0x5C00];
	_ =	sdelay $0x2  }
0x1ac: {  	v0 =	vsub.f32 @p2 v0, v1;
	_ =	sdelay $0x1  }
0x1ad: {  	v0 =	vadd.f32 @p2 v0, v1;
	_ =	sdelay $0x1  }
0x1ae: {  	[tilespmem:s18+$0x15C00] =	vst @p2 v0  }
0x1af: {  	v0 =	vld.idx.msk [tilespmem:v2+s16+$0x0], $0xffff  }
0x1b0: {  	v63 =	vld [tilespmem:s17+$0xDC00];
	_ =	sdelay $0x4  }
.Ltmp46:
0x1b1: {  	v0 =	vsub.f32 v0, v63;
	(pc) =	sbr.rel @!p1 .LBB2_64-.Ltmp46, $3  }
0x1b2: {  	_ = 	snop  }
0x1b3: {  	v0 =	vadd.f32 v0, v63;
	_ =	sdelay $0x1  }
0x1b4: {  	[tilespmem:s17+$0x15C00] =	vst v0  }
0x1b5: {  	v0 =	vld [tilespmem:s15+$0x6000];
	_ =	sdelay $0x3  }
0x1b6: {  	p1 =	por $0x1, $0x1  }
.Ltmp47:
0x1b7: {  	_ = 	snop;
	(pc) =	sbr.rel @!p1 .LBB2_67-.Ltmp47, $4  }
0x1b8: {  	_ = 	snop  }
0x1b9: {  	s16 =	simm.s32 $0x0;
	v1 =	vld [tilespmem:s15+$0xE000]  }
0x1ba: {  	v0 =	vld.idx.msk [tilespmem:v0+s16+$0x0], $0xffff  }
0x1bb: {  	s17 =	simm.s32 $0x10;
	s18 =	simm.s32 $0x80;
	p0 =	por $0x1, $0x1  }
.LBB2_66:
0x1bc: {  	p1 =	sne.s32 s18, $0xFC0;
	v2 =	vld [tilespmem:s17+$0x6000];
	_ =	sdelay $0x2  }
0x1bd: {  	v0 =	vsub.f32 v0, v1;
	_ =	sdelay $0x1  }
0x1be: {  	v0 =	vadd.f32 v0, v1  }
.Ltmp48:
0x1bf: {  	(pc) =	sbr.rel @p1 .LBB2_66-.Ltmp48, $4  }
0x1c0: {  	[tilespmem:s15+$0x16000] =	vst v0;
	s15 =	smov.u32 s17  }
0x1c1: {  	v0 =	vld.idx.msk [tilespmem:v2+s16+$0x0], $0xffff  }
0x1c2: {  	v1 =	vld [tilespmem:s15+$0xE000]  }
0x1c3: {  	s17 =	sshra.s32 s18, $0x2;
	s18 =	sadd.s32 $0x40, s18  }
.LBB2_67:
0x1c4: {  	v2 =	vld [tilespmem:s17+$0x6000];
	_ =	sdelay $0x2  }
0x1c5: {  	v0 =	vsub.f32 @p0 v0, v1;
	_ =	sdelay $0x1  }
0x1c6: {  	v0 =	vadd.f32 @p0 v0, v1;
	_ =	sdelay $0x1  }
0x1c7: {  	s16 =	simm.s32 $0x0;
	[tilespmem:s15+$0x16000] =	vst @p0 v0  }
0x1c8: {  	v0 =	vld.idx.msk [tilespmem:v2+s16+$0x0], $0xffff  }
0x1c9: {  	v1 =	vld [tilespmem:s17+$0xE000];
	_ =	sdelay $0x3  }
0x1ca: {  	p1 =	por $0x1, $0x1  }
.Ltmp49:
0x1cb: {  	v0 =	vsub.f32 v0, v1;
	(pc) =	sbr.rel @!p1 .LBB2_71-.Ltmp49, $4  }
0x1cc: {  	_ = 	snop  }
0x1cd: {  	v0 =	vadd.f32 v0, v1  }
0x1ce: {  	p2 =	por $0x0, $0x0  }
0x1cf: {  	s15 =	simm.s32 $0x0;
	p0 =	por $0x0, $0x0;
	[tilespmem:s17+$0x16000] =	vst v0;
	s17 =	simm.s32 $0x0  }
0x1d0: {  	v0 =	vld [tilespmem:s15+$0x6400];
	_ =	sdelay $0x3  }
0x1d1: {  	p3 =	por $0x1, $0x1  }
.Ltmp50:
0x1d2: {  	_ = 	snop;
	(pc) =	sbr.rel @!p3 .LBB2_69-.Ltmp50, $4  }
0x1d3: {  	_ = 	snop  }
0x1d4: {  	v1 =	vld [tilespmem:s15+$0xE400]  }
0x1d5: {  	s17 =	simm.s32 $0x10;
	v0 =	vld.idx.msk [tilespmem:v0+s16+$0x0], $0xffff  }
0x1d6: {  	s19 =	simm.s32 $0x80;
	p2 =	por $0x1, $0x1;
	s18 =	simm.s32 $0x0  }
.LBB2_70:
0x1d7: {  	p3 =	sne.s32 s19, $0xFC0;
	v2 =	vld [tilespmem:s17+$0x6400];
	_ =	sdelay $0x2  }
0x1d8: {  	v0 =	vsub.f32 v0, v1;
	_ =	sdelay $0x1  }
0x1d9: {  	v0 =	vadd.f32 v0, v1  }
.Ltmp51:
0x1da: {  	(pc) =	sbr.rel @p3 .LBB2_70-.Ltmp51, $4  }
0x1db: {  	[tilespmem:s18+$0x16400] =	vst v0;
	s18 =	smov.u32 s17  }
0x1dc: {  	v0 =	vld.idx.msk [tilespmem:v2+s16+$0x0], $0xffff  }
0x1dd: {  	v1 =	vld [tilespmem:s18+$0xE400]  }
0x1de: {  	s17 =	sshra.s32 s19, $0x2;
	s19 =	sadd.s32 $0x40, s19  }
.LBB2_71:
0x1df: {  	v2 =	vld [tilespmem:s17+$0x6400];
	_ =	sdelay $0x2  }
0x1e0: {  	v0 =	vsub.f32 @p2 v0, v1;
	_ =	sdelay $0x1  }
0x1e1: {  	v0 =	vadd.f32 @p2 v0, v1;
	_ =	sdelay $0x1  }
0x1e2: {  	[tilespmem:s18+$0x16400] =	vst @p2 v0  }
0x1e3: {  	v0 =	vld.idx.msk [tilespmem:v2+s16+$0x0], $0xffff  }
0x1e4: {  	v63 =	vld [tilespmem:s17+$0xE400];
	_ =	sdelay $0x4  }
.Ltmp52:
0x1e5: {  	v0 =	vsub.f32 v0, v63;
	(pc) =	sbr.rel @!p1 .LBB2_72-.Ltmp52, $3  }
0x1e6: {  	_ = 	snop  }
0x1e7: {  	v0 =	vadd.f32 v0, v63;
	_ =	sdelay $0x1  }
0x1e8: {  	[tilespmem:s17+$0x16400] =	vst v0  }
0x1e9: {  	v0 =	vld [tilespmem:s15+$0x6800];
	_ =	sdelay $0x3  }
0x1ea: {  	p1 =	por $0x1, $0x1  }
.Ltmp53:
0x1eb: {  	_ = 	snop;
	(pc) =	sbr.rel @!p1 .LBB2_75-.Ltmp53, $4  }
0x1ec: {  	_ = 	snop  }
0x1ed: {  	s16 =	simm.s32 $0x0;
	v1 =	vld [tilespmem:s15+$0xE800]  }
0x1ee: {  	v0 =	vld.idx.msk [tilespmem:v0+s16+$0x0], $0xffff  }
0x1ef: {  	s17 =	simm.s32 $0x10;
	s18 =	simm.s32 $0x80;
	p0 =	por $0x1, $0x1  }
.LBB2_74:
0x1f0: {  	p1 =	sne.s32 s18, $0xFC0;
	v2 =	vld [tilespmem:s17+$0x6800];
	_ =	sdelay $0x2  }
0x1f1: {  	v0 =	vsub.f32 v0, v1;
	_ =	sdelay $0x1  }
0x1f2: {  	v0 =	vadd.f32 v0, v1  }
.Ltmp54:
0x1f3: {  	(pc) =	sbr.rel @p1 .LBB2_74-.Ltmp54, $4  }
0x1f4: {  	[tilespmem:s15+$0x16800] =	vst v0;
	s15 =	smov.u32 s17  }
0x1f5: {  	v0 =	vld.idx.msk [tilespmem:v2+s16+$0x0], $0xffff  }
0x1f6: {  	v1 =	vld [tilespmem:s15+$0xE800]  }
0x1f7: {  	s17 =	sshra.s32 s18, $0x2;
	s18 =	sadd.s32 $0x40, s18  }
.LBB2_75:
0x1f8: {  	v2 =	vld [tilespmem:s17+$0x6800];
	_ =	sdelay $0x2  }
0x1f9: {  	v0 =	vsub.f32 @p0 v0, v1;
	_ =	sdelay $0x1  }
0x1fa: {  	v0 =	vadd.f32 @p0 v0, v1;
	_ =	sdelay $0x1  }
0x1fb: {  	s16 =	simm.s32 $0x0;
	[tilespmem:s15+$0x16800] =	vst @p0 v0  }
0x1fc: {  	v0 =	vld.idx.msk [tilespmem:v2+s16+$0x0], $0xffff  }
0x1fd: {  	v1 =	vld [tilespmem:s17+$0xE800];
	_ =	sdelay $0x3  }
0x1fe: {  	p1 =	por $0x1, $0x1  }
.Ltmp55:
0x1ff: {  	v0 =	vsub.f32 v0, v1;
	(pc) =	sbr.rel @!p1 .LBB2_79-.Ltmp55, $4  }
0x200: {  	_ = 	snop  }
0x201: {  	v0 =	vadd.f32 v0, v1  }
0x202: {  	p2 =	por $0x0, $0x0  }
0x203: {  	s15 =	simm.s32 $0x0;
	p0 =	por $0x0, $0x0;
	[tilespmem:s17+$0x16800] =	vst v0;
	s17 =	simm.s32 $0x0  }
0x204: {  	v0 =	vld [tilespmem:s15+$0x6C00];
	_ =	sdelay $0x3  }
0x205: {  	p3 =	por $0x1, $0x1  }
.Ltmp56:
0x206: {  	_ = 	snop;
	(pc) =	sbr.rel @!p3 .LBB2_77-.Ltmp56, $4  }
0x207: {  	_ = 	snop  }
0x208: {  	v1 =	vld [tilespmem:s15+$0xEC00]  }
0x209: {  	s17 =	simm.s32 $0x10;
	v0 =	vld.idx.msk [tilespmem:v0+s16+$0x0], $0xffff  }
0x20a: {  	s19 =	simm.s32 $0x80;
	p2 =	por $0x1, $0x1;
	s18 =	simm.s32 $0x0  }
.LBB2_78:
0x20b: {  	p3 =	sne.s32 s19, $0xFC0;
	v2 =	vld [tilespmem:s17+$0x6C00];
	_ =	sdelay $0x2  }
0x20c: {  	v0 =	vsub.f32 v0, v1;
	_ =	sdelay $0x1  }
0x20d: {  	v0 =	vadd.f32 v0, v1  }
.Ltmp57:
0x20e: {  	(pc) =	sbr.rel @p3 .LBB2_78-.Ltmp57, $4  }
0x20f: {  	[tilespmem:s18+$0x16C00] =	vst v0;
	s18 =	smov.u32 s17  }
0x210: {  	v0 =	vld.idx.msk [tilespmem:v2+s16+$0x0], $0xffff  }
0x211: {  	v1 =	vld [tilespmem:s18+$0xEC00]  }
0x212: {  	s17 =	sshra.s32 s19, $0x2;
	s19 =	sadd.s32 $0x40, s19  }
.LBB2_79:
0x213: {  	v2 =	vld [tilespmem:s17+$0x6C00];
	_ =	sdelay $0x2  }
0x214: {  	v0 =	vsub.f32 @p2 v0, v1;
	_ =	sdelay $0x1  }
0x215: {  	v0 =	vadd.f32 @p2 v0, v1;
	_ =	sdelay $0x1  }
0x216: {  	[tilespmem:s18+$0x16C00] =	vst @p2 v0  }
0x217: {  	v0 =	vld.idx.msk [tilespmem:v2+s16+$0x0], $0xffff  }
0x218: {  	v63 =	vld [tilespmem:s17+$0xEC00];
	_ =	sdelay $0x4  }
.Ltmp58:
0x219: {  	v0 =	vsub.f32 v0, v63;
	(pc) =	sbr.rel @!p1 .LBB2_80-.Ltmp58, $3  }
0x21a: {  	_ = 	snop  }
0x21b: {  	v0 =	vadd.f32 v0, v63;
	_ =	sdelay $0x1  }
0x21c: {  	[tilespmem:s17+$0x16C00] =	vst v0  }
0x21d: {  	v0 =	vld [tilespmem:s15+$0x7000];
	_ =	sdelay $0x3  }
0x21e: {  	p1 =	por $0x1, $0x1  }
.Ltmp59:
0x21f: {  	_ = 	snop;
	(pc) =	sbr.rel @!p1 .LBB2_83-.Ltmp59, $4  }
0x220: {  	_ = 	snop  }
0x221: {  	s16 =	simm.s32 $0x0;
	v1 =	vld [tilespmem:s15+$0xF000]  }
0x222: {  	v0 =	vld.idx.msk [tilespmem:v0+s16+$0x0], $0xffff  }
0x223: {  	s17 =	simm.s32 $0x10;
	s18 =	simm.s32 $0x80;
	p0 =	por $0x1, $0x1  }
.LBB2_82:
0x224: {  	p1 =	sne.s32 s18, $0xFC0;
	v2 =	vld [tilespmem:s17+$0x7000];
	_ =	sdelay $0x2  }
0x225: {  	v0 =	vsub.f32 v0, v1;
	_ =	sdelay $0x1  }
0x226: {  	v0 =	vadd.f32 v0, v1  }
.Ltmp60:
0x227: {  	(pc) =	sbr.rel @p1 .LBB2_82-.Ltmp60, $4  }
0x228: {  	[tilespmem:s15+$0x17000] =	vst v0;
	s15 =	smov.u32 s17  }
0x229: {  	v0 =	vld.idx.msk [tilespmem:v2+s16+$0x0], $0xffff  }
0x22a: {  	v1 =	vld [tilespmem:s15+$0xF000]  }
0x22b: {  	s17 =	sshra.s32 s18, $0x2;
	s18 =	sadd.s32 $0x40, s18  }
.LBB2_83:
0x22c: {  	v2 =	vld [tilespmem:s17+$0x7000];
	_ =	sdelay $0x2  }
0x22d: {  	v0 =	vsub.f32 @p0 v0, v1;
	_ =	sdelay $0x1  }
0x22e: {  	v0 =	vadd.f32 @p0 v0, v1;
	_ =	sdelay $0x1  }
0x22f: {  	s16 =	simm.s32 $0x0;
	[tilespmem:s15+$0x17000] =	vst @p0 v0  }
0x230: {  	v0 =	vld.idx.msk [tilespmem:v2+s16+$0x0], $0xffff  }
0x231: {  	v1 =	vld [tilespmem:s17+$0xF000];
	_ =	sdelay $0x3  }
0x232: {  	p1 =	por $0x1, $0x1  }
.Ltmp61:
0x233: {  	v0 =	vsub.f32 v0, v1;
	(pc) =	sbr.rel @!p1 .LBB2_87-.Ltmp61, $4  }
0x234: {  	_ = 	snop  }
0x235: {  	v0 =	vadd.f32 v0, v1  }
0x236: {  	p2 =	por $0x0, $0x0  }
0x237: {  	s15 =	simm.s32 $0x0;
	p0 =	por $0x0, $0x0;
	[tilespmem:s17+$0x17000] =	vst v0;
	s17 =	simm.s32 $0x0  }
0x238: {  	v0 =	vld [tilespmem:s15+$0x7400];
	_ =	sdelay $0x3  }
0x239: {  	p3 =	por $0x1, $0x1  }
.Ltmp62:
0x23a: {  	_ = 	snop;
	(pc) =	sbr.rel @!p3 .LBB2_85-.Ltmp62, $4  }
0x23b: {  	_ = 	snop  }
0x23c: {  	v1 =	vld [tilespmem:s15+$0xF400]  }
0x23d: {  	s17 =	simm.s32 $0x10;
	v0 =	vld.idx.msk [tilespmem:v0+s16+$0x0], $0xffff  }
0x23e: {  	s19 =	simm.s32 $0x80;
	p2 =	por $0x1, $0x1;
	s18 =	simm.s32 $0x0  }
.LBB2_86:
0x23f: {  	p3 =	sne.s32 s19, $0xFC0;
	v2 =	vld [tilespmem:s17+$0x7400];
	_ =	sdelay $0x2  }
0x240: {  	v0 =	vsub.f32 v0, v1;
	_ =	sdelay $0x1  }
0x241: {  	v0 =	vadd.f32 v0, v1  }
.Ltmp63:
0x242: {  	(pc) =	sbr.rel @p3 .LBB2_86-.Ltmp63, $4  }
0x243: {  	[tilespmem:s18+$0x17400] =	vst v0;
	s18 =	smov.u32 s17  }
0x244: {  	v0 =	vld.idx.msk [tilespmem:v2+s16+$0x0], $0xffff  }
0x245: {  	v1 =	vld [tilespmem:s18+$0xF400]  }
0x246: {  	s17 =	sshra.s32 s19, $0x2;
	s19 =	sadd.s32 $0x40, s19  }
.LBB2_87:
0x247: {  	v2 =	vld [tilespmem:s17+$0x7400];
	_ =	sdelay $0x2  }
0x248: {  	v0 =	vsub.f32 @p2 v0, v1;
	_ =	sdelay $0x1  }
0x249: {  	v0 =	vadd.f32 @p2 v0, v1;
	_ =	sdelay $0x1  }
0x24a: {  	[tilespmem:s18+$0x17400] =	vst @p2 v0  }
0x24b: {  	v0 =	vld.idx.msk [tilespmem:v2+s16+$0x0], $0xffff  }
0x24c: {  	v63 =	vld [tilespmem:s17+$0xF400];
	_ =	sdelay $0x4  }
.Ltmp64:
0x24d: {  	v0 =	vsub.f32 v0, v63;
	(pc) =	sbr.rel @!p1 .LBB2_88-.Ltmp64, $3  }
0x24e: {  	_ = 	snop  }
0x24f: {  	v0 =	vadd.f32 v0, v63;
	_ =	sdelay $0x1  }
0x250: {  	[tilespmem:s17+$0x17400] =	vst v0  }
0x251: {  	v0 =	vld [tilespmem:s15+$0x7800];
	_ =	sdelay $0x3  }
0x252: {  	p1 =	por $0x1, $0x1  }
.Ltmp65:
0x253: {  	_ = 	snop;
	(pc) =	sbr.rel @!p1 .LBB2_91-.Ltmp65, $4  }
0x254: {  	_ = 	snop  }
0x255: {  	s16 =	simm.s32 $0x0;
	v1 =	vld [tilespmem:s15+$0xF800]  }
0x256: {  	v0 =	vld.idx.msk [tilespmem:v0+s16+$0x0], $0xffff  }
0x257: {  	s17 =	simm.s32 $0x10;
	s18 =	simm.s32 $0x80;
	p0 =	por $0x1, $0x1  }
.LBB2_90:
0x258: {  	p1 =	sne.s32 s18, $0xFC0;
	v2 =	vld [tilespmem:s17+$0x7800];
	_ =	sdelay $0x2  }
0x259: {  	v0 =	vsub.f32 v0, v1;
	_ =	sdelay $0x1  }
0x25a: {  	v0 =	vadd.f32 v0, v1  }
.Ltmp66:
0x25b: {  	(pc) =	sbr.rel @p1 .LBB2_90-.Ltmp66, $4  }
0x25c: {  	[tilespmem:s15+$0x17800] =	vst v0;
	s15 =	smov.u32 s17  }
0x25d: {  	v0 =	vld.idx.msk [tilespmem:v2+s16+$0x0], $0xffff  }
0x25e: {  	v1 =	vld [tilespmem:s15+$0xF800]  }
0x25f: {  	s17 =	sshra.s32 s18, $0x2;
	s18 =	sadd.s32 $0x40, s18  }
.LBB2_91:
0x260: {  	v2 =	vld [tilespmem:s17+$0x7800];
	_ =	sdelay $0x2  }
0x261: {  	v0 =	vsub.f32 @p0 v0, v1;
	_ =	sdelay $0x1  }
0x262: {  	v0 =	vadd.f32 @p0 v0, v1;
	_ =	sdelay $0x1  }
0x263: {  	s16 =	simm.s32 $0x0;
	[tilespmem:s15+$0x17800] =	vst @p0 v0  }
0x264: {  	v0 =	vld.idx.msk [tilespmem:v2+s16+$0x0], $0xffff  }
0x265: {  	v1 =	vld [tilespmem:s17+$0xF800];
	_ =	sdelay $0x3  }
0x266: {  	p1 =	por $0x1, $0x1  }
.Ltmp67:
0x267: {  	v0 =	vsub.f32 v0, v1;
	(pc) =	sbr.rel @!p1 .LBB2_95-.Ltmp67, $4  }
0x268: {  	_ = 	snop  }
0x269: {  	v0 =	vadd.f32 v0, v1  }
0x26a: {  	p2 =	por $0x0, $0x0  }
0x26b: {  	s15 =	simm.s32 $0x0;
	p0 =	por $0x0, $0x0;
	[tilespmem:s17+$0x17800] =	vst v0;
	s17 =	simm.s32 $0x0  }
0x26c: {  	v0 =	vld [tilespmem:s15+$0x7C00];
	_ =	sdelay $0x3  }
0x26d: {  	p3 =	por $0x1, $0x1  }
.Ltmp68:
0x26e: {  	_ = 	snop;
	(pc) =	sbr.rel @!p3 .LBB2_93-.Ltmp68, $4  }
0x26f: {  	_ = 	snop  }
0x270: {  	v1 =	vld [tilespmem:s15+$0xFC00]  }
0x271: {  	s17 =	simm.s32 $0x10;
	v0 =	vld.idx.msk [tilespmem:v0+s16+$0x0], $0xffff  }
0x272: {  	s19 =	simm.s32 $0x80;
	p2 =	por $0x1, $0x1;
	s18 =	simm.s32 $0x0  }
.LBB2_94:
0x273: {  	p3 =	sne.s32 s19, $0xFC0;
	v2 =	vld [tilespmem:s17+$0x7C00];
	_ =	sdelay $0x2  }
0x274: {  	v0 =	vsub.f32 v0, v1;
	_ =	sdelay $0x1  }
0x275: {  	v0 =	vadd.f32 v0, v1  }
.Ltmp69:
0x276: {  	(pc) =	sbr.rel @p3 .LBB2_94-.Ltmp69, $4  }
0x277: {  	[tilespmem:s18+$0x17C00] =	vst v0;
	s18 =	smov.u32 s17  }
0x278: {  	v0 =	vld.idx.msk [tilespmem:v2+s16+$0x0], $0xffff  }
0x279: {  	v1 =	vld [tilespmem:s18+$0xFC00]  }
0x27a: {  	s17 =	sshra.s32 s19, $0x2;
	s19 =	sadd.s32 $0x40, s19  }
.LBB2_95:
0x27b: {  	v2 =	vld [tilespmem:s17+$0x7C00];
	_ =	sdelay $0x2  }
0x27c: {  	v0 =	vsub.f32 @p2 v0, v1;
	_ =	sdelay $0x1  }
0x27d: {  	v0 =	vadd.f32 @p2 v0, v1;
	_ =	sdelay $0x1  }
0x27e: {  	[tilespmem:s18+$0x17C00] =	vst @p2 v0  }
0x27f: {  	v0 =	vld.idx.msk [tilespmem:v2+s16+$0x0], $0xffff  }
0x280: {  	v63 =	vld [tilespmem:s17+$0xFC00];
	_ =	sdelay $0x4  }
.Ltmp70:
0x281: {  	v0 =	vsub.f32 v0, v63;
	(pc) =	sbr.rel @!p1 .LBB2_96-.Ltmp70, $3  }
0x282: {  	_ = 	snop  }
0x283: {  	v0 =	vadd.f32 v0, v63;
	_ =	sdelay $0x1  }
0x284: {  	[tilespmem:s17+$0x17C00] =	vst v0  }
0x285: {  	v0 =	vld [tilespmem:s15+$0x8000];
	_ =	sdelay $0x3  }
0x286: {  	p1 =	por $0x1, $0x1  }
.Ltmp71:
0x287: {  	_ = 	snop;
	(pc) =	sbr.rel @!p1 .LBB2_99-.Ltmp71, $4  }
0x288: {  	_ = 	snop  }
0x289: {  	s16 =	simm.s32 $0x0;
	v1 =	vld [tilespmem:s15+$0x10000]  }
0x28a: {  	v0 =	vld.idx.msk [tilespmem:v0+s16+$0x0], $0xffff  }
0x28b: {  	s17 =	simm.s32 $0x10;
	s18 =	simm.s32 $0x80;
	p0 =	por $0x1, $0x1  }
.LBB2_98:
0x28c: {  	p1 =	sne.s32 s18, $0xFC0;
	v2 =	vld [tilespmem:s17+$0x8000];
	_ =	sdelay $0x2  }
0x28d: {  	v0 =	vsub.f32 v0, v1;
	_ =	sdelay $0x1  }
0x28e: {  	v0 =	vadd.f32 v0, v1  }
.Ltmp72:
0x28f: {  	(pc) =	sbr.rel @p1 .LBB2_98-.Ltmp72, $4  }
0x290: {  	[tilespmem:s15+$0x18000] =	vst v0;
	s15 =	smov.u32 s17  }
0x291: {  	v0 =	vld.idx.msk [tilespmem:v2+s16+$0x0], $0xffff  }
0x292: {  	v1 =	vld [tilespmem:s15+$0x10000]  }
0x293: {  	s17 =	sshra.s32 s18, $0x2;
	s18 =	sadd.s32 $0x40, s18  }
.LBB2_99:
0x294: {  	v2 =	vld [tilespmem:s17+$0x8000];
	_ =	sdelay $0x2  }
0x295: {  	v0 =	vsub.f32 @p0 v0, v1;
	_ =	sdelay $0x1  }
0x296: {  	v0 =	vadd.f32 @p0 v0, v1;
	_ =	sdelay $0x1  }
0x297: {  	s16 =	simm.s32 $0x0;
	[tilespmem:s15+$0x18000] =	vst @p0 v0  }
0x298: {  	v0 =	vld.idx.msk [tilespmem:v2+s16+$0x0], $0xffff  }
0x299: {  	v1 =	vld [tilespmem:s17+$0x10000];
	_ =	sdelay $0x3  }
0x29a: {  	p1 =	por $0x1, $0x1  }
.Ltmp73:
0x29b: {  	v0 =	vsub.f32 v0, v1;
	(pc) =	sbr.rel @!p1 .LBB2_103-.Ltmp73, $4  }
0x29c: {  	_ = 	snop  }
0x29d: {  	v0 =	vadd.f32 v0, v1  }
0x29e: {  	p2 =	por $0x0, $0x0  }
0x29f: {  	s15 =	simm.s32 $0x0;
	p0 =	por $0x0, $0x0;
	[tilespmem:s17+$0x18000] =	vst v0;
	s17 =	simm.s32 $0x0  }
0x2a0: {  	v0 =	vld [tilespmem:s15+$0x8400];
	_ =	sdelay $0x3  }
0x2a1: {  	p3 =	por $0x1, $0x1  }
.Ltmp74:
0x2a2: {  	_ = 	snop;
	(pc) =	sbr.rel @!p3 .LBB2_101-.Ltmp74, $4  }
0x2a3: {  	_ = 	snop  }
0x2a4: {  	v1 =	vld [tilespmem:s15+$0x10400]  }
0x2a5: {  	s17 =	simm.s32 $0x10;
	v0 =	vld.idx.msk [tilespmem:v0+s16+$0x0], $0xffff  }
0x2a6: {  	s19 =	simm.s32 $0x80;
	p2 =	por $0x1, $0x1;
	s18 =	simm.s32 $0x0  }
.LBB2_102:
0x2a7: {  	p3 =	sne.s32 s19, $0xFC0;
	v2 =	vld [tilespmem:s17+$0x8400];
	_ =	sdelay $0x2  }
0x2a8: {  	v0 =	vsub.f32 v0, v1;
	_ =	sdelay $0x1  }
0x2a9: {  	v0 =	vadd.f32 v0, v1  }
.Ltmp75:
0x2aa: {  	(pc) =	sbr.rel @p3 .LBB2_102-.Ltmp75, $4  }
0x2ab: {  	[tilespmem:s18+$0x18400] =	vst v0;
	s18 =	smov.u32 s17  }
0x2ac: {  	v0 =	vld.idx.msk [tilespmem:v2+s16+$0x0], $0xffff  }
0x2ad: {  	v1 =	vld [tilespmem:s18+$0x10400]  }
0x2ae: {  	s17 =	sshra.s32 s19, $0x2;
	s19 =	sadd.s32 $0x40, s19  }
.LBB2_103:
0x2af: {  	v2 =	vld [tilespmem:s17+$0x8400];
	_ =	sdelay $0x2  }
0x2b0: {  	v0 =	vsub.f32 @p2 v0, v1;
	_ =	sdelay $0x1  }
0x2b1: {  	v0 =	vadd.f32 @p2 v0, v1;
	_ =	sdelay $0x1  }
0x2b2: {  	[tilespmem:s18+$0x18400] =	vst @p2 v0  }
0x2b3: {  	v0 =	vld.idx.msk [tilespmem:v2+s16+$0x0], $0xffff  }
0x2b4: {  	v63 =	vld [tilespmem:s17+$0x10400];
	_ =	sdelay $0x4  }
.Ltmp76:
0x2b5: {  	v0 =	vsub.f32 v0, v63;
	(pc) =	sbr.rel @!p1 .LBB2_104-.Ltmp76, $3  }
0x2b6: {  	_ = 	snop  }
0x2b7: {  	v0 =	vadd.f32 v0, v63;
	_ =	sdelay $0x1  }
0x2b8: {  	[tilespmem:s17+$0x18400] =	vst v0  }
0x2b9: {  	v0 =	vld [tilespmem:s15+$0x8800];
	_ =	sdelay $0x3  }
0x2ba: {  	p1 =	por $0x1, $0x1  }
.Ltmp77:
0x2bb: {  	_ = 	snop;
	(pc) =	sbr.rel @!p1 .LBB2_107-.Ltmp77, $4  }
0x2bc: {  	_ = 	snop  }
0x2bd: {  	s16 =	simm.s32 $0x0;
	v1 =	vld [tilespmem:s15+$0x10800]  }
0x2be: {  	v0 =	vld.idx.msk [tilespmem:v0+s16+$0x0], $0xffff  }
0x2bf: {  	s17 =	simm.s32 $0x10;
	s18 =	simm.s32 $0x80;
	p0 =	por $0x1, $0x1  }
.LBB2_106:
0x2c0: {  	p1 =	sne.s32 s18, $0xFC0;
	v2 =	vld [tilespmem:s17+$0x8800];
	_ =	sdelay $0x2  }
0x2c1: {  	v0 =	vsub.f32 v0, v1;
	_ =	sdelay $0x1  }
0x2c2: {  	v0 =	vadd.f32 v0, v1  }
.Ltmp78:
0x2c3: {  	(pc) =	sbr.rel @p1 .LBB2_106-.Ltmp78, $4  }
0x2c4: {  	[tilespmem:s15+$0x18800] =	vst v0;
	s15 =	smov.u32 s17  }
0x2c5: {  	v0 =	vld.idx.msk [tilespmem:v2+s16+$0x0], $0xffff  }
0x2c6: {  	v1 =	vld [tilespmem:s15+$0x10800]  }
0x2c7: {  	s17 =	sshra.s32 s18, $0x2;
	s18 =	sadd.s32 $0x40, s18  }
.LBB2_107:
0x2c8: {  	v2 =	vld [tilespmem:s17+$0x8800];
	_ =	sdelay $0x2  }
0x2c9: {  	v0 =	vsub.f32 @p0 v0, v1;
	_ =	sdelay $0x1  }
0x2ca: {  	v0 =	vadd.f32 @p0 v0, v1;
	_ =	sdelay $0x1  }
0x2cb: {  	s16 =	simm.s32 $0x0;
	[tilespmem:s15+$0x18800] =	vst @p0 v0  }
0x2cc: {  	v0 =	vld.idx.msk [tilespmem:v2+s16+$0x0], $0xffff  }
0x2cd: {  	v1 =	vld [tilespmem:s17+$0x10800];
	_ =	sdelay $0x3  }
0x2ce: {  	p1 =	por $0x1, $0x1  }
.Ltmp79:
0x2cf: {  	v0 =	vsub.f32 v0, v1;
	(pc) =	sbr.rel @!p1 .LBB2_111-.Ltmp79, $4  }
0x2d0: {  	_ = 	snop  }
0x2d1: {  	v0 =	vadd.f32 v0, v1  }
0x2d2: {  	p2 =	por $0x0, $0x0  }
0x2d3: {  	s15 =	simm.s32 $0x0;
	p0 =	por $0x0, $0x0;
	[tilespmem:s17+$0x18800] =	vst v0;
	s17 =	simm.s32 $0x0  }
0x2d4: {  	v0 =	vld [tilespmem:s15+$0x8C00];
	_ =	sdelay $0x3  }
0x2d5: {  	p3 =	por $0x1, $0x1  }
.Ltmp80:
0x2d6: {  	_ = 	snop;
	(pc) =	sbr.rel @!p3 .LBB2_109-.Ltmp80, $4  }
0x2d7: {  	_ = 	snop  }
0x2d8: {  	v1 =	vld [tilespmem:s15+$0x10C00]  }
0x2d9: {  	s17 =	simm.s32 $0x10;
	v0 =	vld.idx.msk [tilespmem:v0+s16+$0x0], $0xffff  }
0x2da: {  	s19 =	simm.s32 $0x80;
	p2 =	por $0x1, $0x1;
	s18 =	simm.s32 $0x0  }
.LBB2_110:
0x2db: {  	p3 =	sne.s32 s19, $0xFC0;
	v2 =	vld [tilespmem:s17+$0x8C00];
	_ =	sdelay $0x2  }
0x2dc: {  	v0 =	vsub.f32 v0, v1;
	_ =	sdelay $0x1  }
0x2dd: {  	v0 =	vadd.f32 v0, v1  }
.Ltmp81:
0x2de: {  	(pc) =	sbr.rel @p3 .LBB2_110-.Ltmp81, $4  }
0x2df: {  	[tilespmem:s18+$0x18C00] =	vst v0;
	s18 =	smov.u32 s17  }
0x2e0: {  	v0 =	vld.idx.msk [tilespmem:v2+s16+$0x0], $0xffff  }
0x2e1: {  	v1 =	vld [tilespmem:s18+$0x10C00]  }
0x2e2: {  	s17 =	sshra.s32 s19, $0x2;
	s19 =	sadd.s32 $0x40, s19  }
.LBB2_111:
0x2e3: {  	v2 =	vld [tilespmem:s17+$0x8C00];
	_ =	sdelay $0x2  }
0x2e4: {  	v0 =	vsub.f32 @p2 v0, v1;
	_ =	sdelay $0x1  }
0x2e5: {  	v0 =	vadd.f32 @p2 v0, v1;
	_ =	sdelay $0x1  }
0x2e6: {  	[tilespmem:s18+$0x18C00] =	vst @p2 v0  }
0x2e7: {  	v0 =	vld.idx.msk [tilespmem:v2+s16+$0x0], $0xffff  }
0x2e8: {  	v63 =	vld [tilespmem:s17+$0x10C00];
	_ =	sdelay $0x4  }
.Ltmp82:
0x2e9: {  	v0 =	vsub.f32 v0, v63;
	(pc) =	sbr.rel @!p1 .LBB2_112-.Ltmp82, $3  }
0x2ea: {  	_ = 	snop  }
0x2eb: {  	v0 =	vadd.f32 v0, v63;
	_ =	sdelay $0x1  }
0x2ec: {  	[tilespmem:s17+$0x18C00] =	vst v0  }
0x2ed: {  	v0 =	vld [tilespmem:s15+$0x9000];
	_ =	sdelay $0x3  }
0x2ee: {  	p1 =	por $0x1, $0x1  }
.Ltmp83:
0x2ef: {  	_ = 	snop;
	(pc) =	sbr.rel @!p1 .LBB2_115-.Ltmp83, $4  }
0x2f0: {  	_ = 	snop  }
0x2f1: {  	s16 =	simm.s32 $0x0;
	v1 =	vld [tilespmem:s15+$0x11000]  }
0x2f2: {  	v0 =	vld.idx.msk [tilespmem:v0+s16+$0x0], $0xffff  }
0x2f3: {  	s17 =	simm.s32 $0x10;
	s18 =	simm.s32 $0x80;
	p0 =	por $0x1, $0x1  }
.LBB2_114:
0x2f4: {  	p1 =	sne.s32 s18, $0xFC0;
	v2 =	vld [tilespmem:s17+$0x9000];
	_ =	sdelay $0x2  }
0x2f5: {  	v0 =	vsub.f32 v0, v1;
	_ =	sdelay $0x1  }
0x2f6: {  	v0 =	vadd.f32 v0, v1  }
.Ltmp84:
0x2f7: {  	(pc) =	sbr.rel @p1 .LBB2_114-.Ltmp84, $4  }
0x2f8: {  	[tilespmem:s15+$0x19000] =	vst v0;
	s15 =	smov.u32 s17  }
0x2f9: {  	v0 =	vld.idx.msk [tilespmem:v2+s16+$0x0], $0xffff  }
0x2fa: {  	v1 =	vld [tilespmem:s15+$0x11000]  }
0x2fb: {  	s17 =	sshra.s32 s18, $0x2;
	s18 =	sadd.s32 $0x40, s18  }
.LBB2_115:
0x2fc: {  	v2 =	vld [tilespmem:s17+$0x9000];
	_ =	sdelay $0x2  }
0x2fd: {  	v0 =	vsub.f32 @p0 v0, v1;
	_ =	sdelay $0x1  }
0x2fe: {  	v0 =	vadd.f32 @p0 v0, v1;
	_ =	sdelay $0x1  }
0x2ff: {  	s16 =	simm.s32 $0x0;
	[tilespmem:s15+$0x19000] =	vst @p0 v0  }
0x300: {  	v0 =	vld.idx.msk [tilespmem:v2+s16+$0x0], $0xffff  }
0x301: {  	v1 =	vld [tilespmem:s17+$0x11000];
	_ =	sdelay $0x3  }
0x302: {  	p1 =	por $0x1, $0x1  }
.Ltmp85:
0x303: {  	v0 =	vsub.f32 v0, v1;
	(pc) =	sbr.rel @!p1 .LBB2_119-.Ltmp85, $4  }
0x304: {  	_ = 	snop  }
0x305: {  	v0 =	vadd.f32 v0, v1  }
0x306: {  	p2 =	por $0x0, $0x0  }
0x307: {  	s15 =	simm.s32 $0x0;
	p0 =	por $0x0, $0x0;
	[tilespmem:s17+$0x19000] =	vst v0;
	s17 =	simm.s32 $0x0  }
0x308: {  	v0 =	vld [tilespmem:s15+$0x9400];
	_ =	sdelay $0x3  }
0x309: {  	p3 =	por $0x1, $0x1  }
.Ltmp86:
0x30a: {  	_ = 	snop;
	(pc) =	sbr.rel @!p3 .LBB2_117-.Ltmp86, $4  }
0x30b: {  	_ = 	snop  }
0x30c: {  	v1 =	vld [tilespmem:s15+$0x11400]  }
0x30d: {  	s17 =	simm.s32 $0x10;
	v0 =	vld.idx.msk [tilespmem:v0+s16+$0x0], $0xffff  }
0x30e: {  	s19 =	simm.s32 $0x80;
	p2 =	por $0x1, $0x1;
	s18 =	simm.s32 $0x0  }
.LBB2_118:
0x30f: {  	p3 =	sne.s32 s19, $0xFC0;
	v2 =	vld [tilespmem:s17+$0x9400];
	_ =	sdelay $0x2  }
0x310: {  	v0 =	vsub.f32 v0, v1;
	_ =	sdelay $0x1  }
0x311: {  	v0 =	vadd.f32 v0, v1  }
.Ltmp87:
0x312: {  	(pc) =	sbr.rel @p3 .LBB2_118-.Ltmp87, $4  }
0x313: {  	[tilespmem:s18+$0x19400] =	vst v0;
	s18 =	smov.u32 s17  }
0x314: {  	v0 =	vld.idx.msk [tilespmem:v2+s16+$0x0], $0xffff  }
0x315: {  	v1 =	vld [tilespmem:s18+$0x11400]  }
0x316: {  	s17 =	sshra.s32 s19, $0x2;
	s19 =	sadd.s32 $0x40, s19  }
.LBB2_119:
0x317: {  	v2 =	vld [tilespmem:s17+$0x9400];
	_ =	sdelay $0x2  }
0x318: {  	v0 =	vsub.f32 @p2 v0, v1;
	_ =	sdelay $0x1  }
0x319: {  	v0 =	vadd.f32 @p2 v0, v1;
	_ =	sdelay $0x1  }
0x31a: {  	[tilespmem:s18+$0x19400] =	vst @p2 v0  }
0x31b: {  	v0 =	vld.idx.msk [tilespmem:v2+s16+$0x0], $0xffff  }
0x31c: {  	v63 =	vld [tilespmem:s17+$0x11400];
	_ =	sdelay $0x4  }
.Ltmp88:
0x31d: {  	v0 =	vsub.f32 v0, v63;
	(pc) =	sbr.rel @!p1 .LBB2_120-.Ltmp88, $3  }
0x31e: {  	_ = 	snop  }
0x31f: {  	v0 =	vadd.f32 v0, v63;
	_ =	sdelay $0x1  }
0x320: {  	[tilespmem:s17+$0x19400] =	vst v0  }
0x321: {  	v0 =	vld [tilespmem:s15+$0x9800];
	_ =	sdelay $0x3  }
0x322: {  	p1 =	por $0x1, $0x1  }
.Ltmp89:
0x323: {  	_ = 	snop;
	(pc) =	sbr.rel @!p1 .LBB2_123-.Ltmp89, $4  }
0x324: {  	_ = 	snop  }
0x325: {  	s17 =	simm.s32 $0x0;
	v1 =	vld [tilespmem:s15+$0x11800]  }
0x326: {  	v0 =	vld.idx.msk [tilespmem:v0+s17+$0x0], $0xffff  }
0x327: {  	s16 =	simm.s32 $0x10;
	s18 =	simm.s32 $0x80;
	p0 =	por $0x1, $0x1  }
.LBB2_122:
0x328: {  	p1 =	sne.s32 s18, $0xFC0;
	v2 =	vld [tilespmem:s16+$0x9800];
	_ =	sdelay $0x2  }
0x329: {  	v0 =	vsub.f32 v0, v1;
	_ =	sdelay $0x1  }
0x32a: {  	v0 =	vadd.f32 v0, v1  }
.Ltmp90:
0x32b: {  	(pc) =	sbr.rel @p1 .LBB2_122-.Ltmp90, $4  }
0x32c: {  	[tilespmem:s15+$0x19800] =	vst v0;
	s15 =	smov.u32 s16  }
0x32d: {  	v0 =	vld.idx.msk [tilespmem:v2+s17+$0x0], $0xffff  }
0x32e: {  	v1 =	vld [tilespmem:s15+$0x11800]  }
0x32f: {  	s16 =	sshra.s32 s18, $0x2;
	s18 =	sadd.s32 $0x40, s18  }
.LBB2_123:
0x330: {  	v2 =	vld [tilespmem:s16+$0x9800];
	_ =	sdelay $0x2  }
0x331: {  	v0 =	vsub.f32 @p0 v0, v1;
	_ =	sdelay $0x1  }
0x332: {  	v0 =	vadd.f32 @p0 v0, v1;
	_ =	sdelay $0x1  }
0x333: {  	s17 =	simm.s32 $0x0;
	[tilespmem:s15+$0x19800] =	vst @p0 v0  }
0x334: {  	v0 =	vld.idx.msk [tilespmem:v2+s17+$0x0], $0xffff  }
0x335: {  	v63 =	vld [tilespmem:s16+$0x11800];
	_ =	sdelay $0x3  }
0x336: {  	p1 =	por $0x1, $0x1  }
.Ltmp91:
0x337: {  	v0 =	vsub.f32 v0, v63;
	(pc) =	sbr.rel @!p1 .LBB2_124-.Ltmp91, $3  }
0x338: {  	_ = 	snop  }
0x339: {  	v0 =	vadd.f32 v0, v63;
	_ =	sdelay $0x1  }
0x33a: {  	s15 =	simm.s32 $0x0;
	p0 =	por $0x0, $0x0;
	[tilespmem:s16+$0x19800] =	vst v0  }
0x33b: {  	v0 =	vld [tilespmem:s15+$0x9C00];
	_ =	sdelay $0x3  }
0x33c: {  	p1 =	por $0x1, $0x1  }
.Ltmp92:
0x33d: {  	_ = 	snop;
	(pc) =	sbr.rel @!p1 .LBB2_127-.Ltmp92, $4  }
0x33e: {  	_ = 	snop  }
0x33f: {  	v1 =	vld [tilespmem:s15+$0x11C00]  }
0x340: {  	v0 =	vld.idx.msk [tilespmem:v0+s3+$0x0], $0xffff  }
0x341: {  	s16 =	simm.s32 $0x10;
	s17 =	simm.s32 $0x80;
	p0 =	por $0x1, $0x1  }
.LBB2_126:
0x342: {  	p1 =	sne.s32 s17, $0xFC0;
	v2 =	vld [tilespmem:s16+$0x9C00];
	_ =	sdelay $0x2  }
0x343: {  	v0 =	vsub.f32 v0, v1;
	_ =	sdelay $0x1  }
0x344: {  	v0 =	vadd.f32 v0, v1  }
.Ltmp93:
0x345: {  	(pc) =	sbr.rel @p1 .LBB2_126-.Ltmp93, $4  }
0x346: {  	[tilespmem:s15+$0x19C00] =	vst v0;
	s15 =	smov.u32 s16  }
0x347: {  	v0 =	vld.idx.msk [tilespmem:v2+s3+$0x0], $0xffff  }
0x348: {  	v1 =	vld [tilespmem:s15+$0x11C00]  }
0x349: {  	s16 =	sshra.s32 s17, $0x2;
	s17 =	sadd.s32 $0x40, s17  }
.LBB2_127:
0x34a: {  	v2 =	vld [tilespmem:s16+$0x9C00];
	_ =	sdelay $0x2  }
0x34b: {  	v0 =	vsub.f32 @p0 v0, v1;
	_ =	sdelay $0x1  }
0x34c: {  	v0 =	vadd.f32 @p0 v0, v1;
	_ =	sdelay $0x1  }
0x34d: {  	[tilespmem:s15+$0x19C00] =	vst @p0 v0  }
0x34e: {  	v0 =	vld.idx.msk [tilespmem:v2+s3+$0x0], $0xffff  }
0x34f: {  	v63 =	vld [tilespmem:s16+$0x11C00];
	_ =	sdelay $0x4  }
0x350: {  	v0 =	vsub.f32 v0, v63;
	_ =	sdelay $0x1  }
0x351: {  	v0 =	vadd.f32 v0, v63  }
0x352: {  	s14 =	sadd.s32 $0x1, s14  }
0x353: {  	p0 =	sne.s32 s14, s7;
	[tilespmem:s16+$0x19C00] =	vst v0  }
0x354: {  	[hbm4b:s6+s10] =	stream.strided.scatter [tilespmem:s13], [sflag:$0x1], $0x8000, s11, s10, $0x38;
	[tilespmem:$0x1A000] =	vst v63  }
.Ltmp94:
0x355: {  	_ = 	snop;
	(pc) =	sbr.rel @p0 .LBB2_1-.Ltmp94, $4  }
.Ltmp95:
0x356: {  	_ = 	snop;
	(pc) =	sbr.rel @!p0 .LBB2_128-.Ltmp95, $4  }
0x357: {  	_ =	swait.ge [sflag:s8], $0x8000  }
0x358: {  	[sflag:s8] =	ssyncset.done $0x0  }
0x359: {  	[sflag:s8] =	ssyncadd.s32 $0xFFFF8000  }
0x35a: {  	_ = 	snop  }
.LBB2_8:
.Ltmp96:
0x35b: {  	(pc) =	sbr.rel .LBB2_11-.Ltmp96, $2  }
0x35c: {  	_ =	sdelay $0x2  }
0x35d: {  	s17 =	simm.s32 $0x0  }
.LBB2_16:
.Ltmp97:
0x35e: {  	(pc) =	sbr.rel .LBB2_19-.Ltmp97, $2  }
0x35f: {  	_ =	sdelay $0x2  }
0x360: {  	s17 =	simm.s32 $0x0  }
.LBB2_24:
.Ltmp98:
0x361: {  	(pc) =	sbr.rel .LBB2_27-.Ltmp98, $2  }
0x362: {  	_ =	sdelay $0x2  }
0x363: {  	s17 =	simm.s32 $0x0  }
.LBB2_32:
.Ltmp99:
0x364: {  	(pc) =	sbr.rel .LBB2_35-.Ltmp99, $2  }
0x365: {  	_ =	sdelay $0x2  }
0x366: {  	s17 =	simm.s32 $0x0  }
.LBB2_40:
.Ltmp100:
0x367: {  	(pc) =	sbr.rel .LBB2_43-.Ltmp100, $2  }
0x368: {  	_ =	sdelay $0x2  }
0x369: {  	s17 =	simm.s32 $0x0  }
.LBB2_48:
.Ltmp101:
0x36a: {  	(pc) =	sbr.rel .LBB2_51-.Ltmp101, $2  }
0x36b: {  	_ =	sdelay $0x2  }
0x36c: {  	s17 =	simm.s32 $0x0  }
.LBB2_56:
.Ltmp102:
0x36d: {  	(pc) =	sbr.rel .LBB2_59-.Ltmp102, $2  }
0x36e: {  	_ =	sdelay $0x2  }
0x36f: {  	s17 =	simm.s32 $0x0  }
.LBB2_64:
.Ltmp103:
0x370: {  	(pc) =	sbr.rel .LBB2_67-.Ltmp103, $2  }
0x371: {  	_ =	sdelay $0x2  }
0x372: {  	s17 =	simm.s32 $0x0  }
.LBB2_72:
.Ltmp104:
0x373: {  	(pc) =	sbr.rel .LBB2_75-.Ltmp104, $2  }
0x374: {  	_ =	sdelay $0x2  }
0x375: {  	s17 =	simm.s32 $0x0  }
.LBB2_80:
.Ltmp105:
0x376: {  	(pc) =	sbr.rel .LBB2_83-.Ltmp105, $2  }
0x377: {  	_ =	sdelay $0x2  }
0x378: {  	s17 =	simm.s32 $0x0  }
.LBB2_88:
.Ltmp106:
0x379: {  	(pc) =	sbr.rel .LBB2_91-.Ltmp106, $2  }
0x37a: {  	_ =	sdelay $0x2  }
0x37b: {  	s17 =	simm.s32 $0x0  }
.LBB2_96:
.Ltmp107:
0x37c: {  	(pc) =	sbr.rel .LBB2_99-.Ltmp107, $2  }
0x37d: {  	_ =	sdelay $0x2  }
0x37e: {  	s17 =	simm.s32 $0x0  }
.LBB2_104:
.Ltmp108:
0x37f: {  	(pc) =	sbr.rel .LBB2_107-.Ltmp108, $2  }
0x380: {  	_ =	sdelay $0x2  }
0x381: {  	s17 =	simm.s32 $0x0  }
.LBB2_112:
.Ltmp109:
0x382: {  	(pc) =	sbr.rel .LBB2_115-.Ltmp109, $2  }
0x383: {  	_ =	sdelay $0x2  }
0x384: {  	s17 =	simm.s32 $0x0  }
.LBB2_120:
.Ltmp110:
0x385: {  	(pc) =	sbr.rel .LBB2_123-.Ltmp110, $2  }
0x386: {  	_ =	sdelay $0x2  }
0x387: {  	s16 =	simm.s32 $0x0  }
.LBB2_124:
.Ltmp111:
0x388: {  	(pc) =	sbr.rel .LBB2_127-.Ltmp111, $2  }
0x389: {  	_ =	sdelay $0x2  }
0x38a: {  	s16 =	simm.s32 $0x0  }
.LBB2_5:
.Ltmp112:
0x38b: {  	(pc) =	sbr.rel .LBB2_7-.Ltmp112, $2  }
0x38c: {  	_ =	sdelay $0x2  }
0x38d: {  	s18 =	simm.s32 $0x0  }
.LBB2_13:
.Ltmp113:
0x38e: {  	(pc) =	sbr.rel .LBB2_15-.Ltmp113, $2  }
0x38f: {  	_ =	sdelay $0x2  }
0x390: {  	s18 =	simm.s32 $0x0  }
.LBB2_21:
.Ltmp114:
0x391: {  	(pc) =	sbr.rel .LBB2_23-.Ltmp114, $2  }
0x392: {  	_ =	sdelay $0x2  }
0x393: {  	s18 =	simm.s32 $0x0  }
.LBB2_29:
.Ltmp115:
0x394: {  	(pc) =	sbr.rel .LBB2_31-.Ltmp115, $2  }
0x395: {  	_ =	sdelay $0x2  }
0x396: {  	s18 =	simm.s32 $0x0  }
.LBB2_37:
.Ltmp116:
0x397: {  	(pc) =	sbr.rel .LBB2_39-.Ltmp116, $2  }
0x398: {  	_ =	sdelay $0x2  }
0x399: {  	s18 =	simm.s32 $0x0  }
.LBB2_45:
.Ltmp117:
0x39a: {  	(pc) =	sbr.rel .LBB2_47-.Ltmp117, $2  }
0x39b: {  	_ =	sdelay $0x2  }
0x39c: {  	s18 =	simm.s32 $0x0  }
.LBB2_53:
.Ltmp118:
0x39d: {  	(pc) =	sbr.rel .LBB2_55-.Ltmp118, $2  }
0x39e: {  	_ =	sdelay $0x2  }
0x39f: {  	s18 =	simm.s32 $0x0  }
.LBB2_61:
.Ltmp119:
0x3a0: {  	(pc) =	sbr.rel .LBB2_63-.Ltmp119, $2  }
0x3a1: {  	_ =	sdelay $0x2  }
0x3a2: {  	s18 =	simm.s32 $0x0  }
.LBB2_69:
.Ltmp120:
0x3a3: {  	(pc) =	sbr.rel .LBB2_71-.Ltmp120, $2  }
0x3a4: {  	_ =	sdelay $0x2  }
0x3a5: {  	s18 =	simm.s32 $0x0  }
.LBB2_77:
.Ltmp121:
0x3a6: {  	(pc) =	sbr.rel .LBB2_79-.Ltmp121, $2  }
0x3a7: {  	_ =	sdelay $0x2  }
0x3a8: {  	s18 =	simm.s32 $0x0  }
.LBB2_85:
.Ltmp122:
0x3a9: {  	(pc) =	sbr.rel .LBB2_87-.Ltmp122, $2  }
0x3aa: {  	_ =	sdelay $0x2  }
0x3ab: {  	s18 =	simm.s32 $0x0  }
.LBB2_93:
.Ltmp123:
0x3ac: {  	(pc) =	sbr.rel .LBB2_95-.Ltmp123, $2  }
0x3ad: {  	_ =	sdelay $0x2  }
0x3ae: {  	s18 =	simm.s32 $0x0  }
.LBB2_101:
.Ltmp124:
0x3af: {  	(pc) =	sbr.rel .LBB2_103-.Ltmp124, $2  }
0x3b0: {  	_ =	sdelay $0x2  }
0x3b1: {  	s18 =	simm.s32 $0x0  }
.LBB2_109:
.Ltmp125:
0x3b2: {  	(pc) =	sbr.rel .LBB2_111-.Ltmp125, $2  }
0x3b3: {  	_ =	sdelay $0x2  }
0x3b4: {  	s18 =	simm.s32 $0x0  }
.LBB2_117:
.Ltmp126:
0x3b5: {  	(pc) =	sbr.rel .LBB2_119-.Ltmp126, $2  }
0x3b6: {  	_ =	sdelay $0x2  }
0x3b7: {  	s18 =	simm.s32 $0x0  }
.LBB2_128:
0x3b8: {  	_ =	sfence.sel $0x180000  }
0x3b9: {  	[bflag:$0x0] =	sbarrier.arrive $0xFFFF  }
0x3ba: {  	p0 =	sne.s32 s1, $0x0;
	_ =	strace $0x90000047  }
0x3bb: {  	s0 =	sadd.s32 @!p0 $0x100000, s0;
	[bflag:$0x2] =	sbarrier.arrive $0xFFFF  }
0x3bc: {  	[sflag:s0] =	ssyncadd.tile.s32 @!p0 $0x1;
	_ =	shalt  }
.Lfunc_end2:
_tile_overlayer_lowered:
.L_overlay_start_2:
0x3bd: {  	(tag) =	ssettag $0x2  }
0x3be: {  	s0 =	rddreg [dreg:$0x0];
	s2 =	stileid.u32  }
0x3bf: {  	s1 =	rddreg [dreg:$0x1];
	p0 =	sne.s32 s2, $0x0  }
0x3c0: {  	s3 =	rddreg [dreg:$0x2];
	[bflag:$0x3] =	sbarrier.arrive $0xFFFF;
	s2 =	simm.s32 @!p0 $0x1C01  }
0x3c1: {  	[timem:s3], [sflag:s2] =	dma.local @!p0 [hbm:s0], s1  }
0x3c2: {  	s0 =	simm.s32 @!p0 $0x1  }
0x3c3: {  	_ =	swait.ge @!p0 [sflag:s0], s1  }
0x3c4: {  	s1 =	ssub.s32 @!p0 $0x0, s1;
	[sflag:s0] =	ssyncset.done @!p0 $0x0  }
0x3c5: {  	[sflag:s0] =	ssyncadd.s32 @!p0 s1  }
0x3c6: {  	[bflag:$0x3] =	sbarrier.arrive $0xFFFF  }
0x3c7: {  	_ =	shalt  }

</sc_bundles>
